<compile_context>
chip_gen: v7x
topology: tpu7x:2x2x1
jax: 0.10.2.dev20260603
libtpu: 0.0.44.dev20260713+nightly
codegen_flags: <defaults>
</compile_context>

<pallas_src>
import functools

import jax
import jax.numpy as jnp
from jax import lax
from jax.experimental import pallas as pl
from jax.experimental.pallas import tpu as pltpu
from jax.experimental.pallas import tpu_sc as plsc

N_NODES = 10000
N_EDGES = 320000
DIM = 128
HALF = DIM // 2

NC = 2
NS = 16
CHUNK = 128
CHUNKS_PER_TILE = 80
ACC_ROWS = 10112
ROWS_PER_TILE = ACC_ROWS // NS
X_LAST_TILE = N_NODES - 15 * ROWS_PER_TILE

NSTREAM = 2
CPS = CHUNKS_PER_TILE // NSTREAM
TAIL_CHUNKS = N_EDGES // CHUNK - (NC * NS - 1) * CHUNKS_PER_TILE


def _sc_aggregate(x, e3, zeros_init):
  mesh = plsc.VectorSubcoreMesh(
      core_axis_name="c", subcore_axis_name="s", num_cores=NC,
      num_subcores=NS)

  @functools.partial(
      pl.kernel,
      out_type=jax.ShapeDtypeStruct((NC, 2, ACC_ROWS, HALF), jnp.float32),
      mesh=mesh,
      scratch_types=[
          pltpu.VMEM_SHARED((ACC_ROWS, HALF), jnp.float32),
          pltpu.VMEM_SHARED((ACC_ROWS, HALF), jnp.float32),
          pltpu.VMEM((CHUNKS_PER_TILE, CHUNK), jnp.int32),
          pltpu.VMEM((CHUNKS_PER_TILE, CHUNK), jnp.int32),
          pltpu.VMEM((NSTREAM, CHUNK, HALF), jnp.float32),
          [pltpu.SemaphoreType.DMA] * NSTREAM,
          [pltpu.SemaphoreType.DMA] * NSTREAM,
      ],
      compiler_params=pltpu.CompilerParams(use_tc_tiling_on_sc=False),
  )
  def sc_kernel(x_hbm, e3_hbm, zer_hbm, out_hbm,
                x_sp, acc, src_v, dst_v, rows, gsems, ssems):
    c = lax.axis_index("c")
    s = lax.axis_index("s")
    rslice = pl.ds(s * ROWS_PER_TILE, ROWS_PER_TILE)
    w = c * NS + s
    cps = lax.select(w == NC * NS - 1, TAIL_CHUNKS // NSTREAM, CPS)

    @pl.when(w < NC * NS - 1)
    def _():
      pltpu.sync_copy(e3_hbm.at[0, pl.ds(w * CHUNKS_PER_TILE,
                                         CHUNKS_PER_TILE)], src_v)
      pltpu.sync_copy(e3_hbm.at[1, pl.ds(w * CHUNKS_PER_TILE,
                                         CHUNKS_PER_TILE)], dst_v)
    @pl.when(w == NC * NS - 1)
    def _():
      base = (NC * NS - 1) * CHUNKS_PER_TILE
      pltpu.sync_copy(e3_hbm.at[0, pl.ds(base, TAIL_CHUNKS)],
                      src_v.at[pl.ds(0, TAIL_CHUNKS)])
      pltpu.sync_copy(e3_hbm.at[1, pl.ds(base, TAIL_CHUNKS)],
                      dst_v.at[pl.ds(0, TAIL_CHUNKS)])

    def fire_gather(t, i):
      pltpu.async_copy(x_sp.at[src_v.at[t * cps + i]], rows.at[t],
                       gsems[t])

    def wait_gather(t, i):
      pltpu.make_async_copy(x_sp.at[src_v.at[t * cps + i]],
                            rows.at[t], gsems[t]).wait()

    def fire_scatter(t, i):
      pltpu.async_copy(rows.at[t], acc.at[dst_v.at[t * cps + i]],
                       ssems[t], add=True)

    def wait_scatter(t, i):
      pltpu.make_async_copy(rows.at[t], acc.at[dst_v.at[t * cps + i]],
                            ssems[t]).wait()

    for p in range(2):
      cslice = pl.ds(p * HALF, HALF)
      @pl.when(s < NS - 1)
      def _():
        pltpu.sync_copy(
            x_hbm.at[pl.ds(s * ROWS_PER_TILE, ROWS_PER_TILE), cslice],
            x_sp.at[rslice])
      @pl.when(s == NS - 1)
      def _():
        pltpu.sync_copy(
            x_hbm.at[pl.ds(15 * ROWS_PER_TILE, X_LAST_TILE), cslice],
            x_sp.at[pl.ds(15 * ROWS_PER_TILE, X_LAST_TILE)])
      pltpu.sync_copy(zer_hbm.at[rslice], acc.at[rslice])
      plsc.subcore_barrier()

      for t in range(NSTREAM):
        fire_gather(t, 0)

      @pl.loop(0, cps)
      def _(i):
        for t in range(NSTREAM):
          wait_gather(t, i)
          fire_scatter(t, i)
        for t in range(NSTREAM):
          wait_scatter(t, i)
          @pl.when(i < cps - 1)
          def _():
            fire_gather(t, i + 1)

      plsc.subcore_barrier()
      pltpu.sync_copy(acc.at[rslice], out_hbm.at[c, p, rslice])
      plsc.subcore_barrier()

  return sc_kernel(x, e3, zeros_init)


def _tc_body(a_hbm, w1_ref, b1_ref, w2_ref, b2_ref, o_ref, a_ref, sem):
  pltpu.async_copy(a_hbm, a_ref, sem).wait()
  a_lo = a_ref[0, 0, :N_NODES] + a_ref[1, 0, :N_NODES]
  a_hi = a_ref[0, 1, :N_NODES] + a_ref[1, 1, :N_NODES]
  w1_lo = w1_ref[:, :HALF]
  w1_hi = w1_ref[:, HALF:]
  h = (lax.dot_general(a_lo, w1_lo, (((1,), (1,)), ((), ())),
                       preferred_element_type=jnp.float32)
       + lax.dot_general(a_hi, w1_hi, (((1,), (1,)), ((), ())),
                         preferred_element_type=jnp.float32))
  h = jnp.maximum(h + b1_ref[...], 0.0)
  o = lax.dot_general(w2_ref[...], h, (((1,), (1,)), ((), ())),
                      preferred_element_type=jnp.float32)
  o_ref[...] = o + b2_ref[...]


def _tc_linear(agg4, W1, b1, W2, b2):
  return pl.pallas_call(
      _tc_body,
      out_shape=jax.ShapeDtypeStruct((DIM, N_NODES), jnp.float32),
      in_specs=[
          pl.BlockSpec(memory_space=pl.ANY),
          pl.BlockSpec((DIM, DIM), lambda: (0, 0)),
          pl.BlockSpec((1, DIM), lambda: (0, 0)),
          pl.BlockSpec((DIM, DIM), lambda: (0, 0)),
          pl.BlockSpec((DIM, 1), lambda: (0, 0)),
      ],
      scratch_shapes=[
          pltpu.VMEM((NC, 2, ACC_ROWS, HALF), jnp.float32),
          pltpu.SemaphoreType.DMA,
      ],
  )(agg4, W1, b1.reshape(1, DIM), W2, b2.reshape(DIM, 1))


def kernel(x, edge_index, W1, b1, W2, b2):
  e3 = edge_index.reshape(2, N_EDGES // CHUNK, CHUNK)
  zeros_init = jnp.zeros((ACC_ROWS, HALF), jnp.float32)
  agg4 = _sc_aggregate(x, e3, zeros_init)
  return _tc_linear(agg4, W1, b1, W2, b2)

# --- scband reference (transcript-rebuilt; emitter-appended) ---
"""Pipeline reference for scband-lfarn-44805098832263 (READ-ONLY COPY).

The authoritative reference and input builder live on the scoring server;
editing this copy changes nothing except your own understanding.
"""

import jax, jax.numpy as jnp
import numpy as np

N_NODES = 10000
N_EDGES = 320000
IN_DIM = 128
HIDDEN_DIM = 128
OUT_DIM = 128


def setup_inputs(seed: int = 0) -> dict:
    key = jax.random.key(seed)
    k1, k2, k3, k4, k5, k6 = jax.random.split(key, 6)
    x = jax.random.normal(k1, (N_NODES, IN_DIM), dtype=jnp.float32)
    edge_index = jax.random.randint(k2, (2, N_EDGES), 0, N_NODES, dtype=jnp.int32)
    # LFAR.linear: Linear(in_dim, hidden_dim)
    W1 = jax.random.normal(k3, (HIDDEN_DIM, IN_DIM), dtype=jnp.float32) / np.sqrt(
        IN_DIM
    )
    b1 = jax.random.normal(k4, (HIDDEN_DIM,), dtype=jnp.float32) * 0.01
    # LFARN.linear: Linear(hidden_dim, out_dim)
    W2 = jax.random.normal(k5, (OUT_DIM, HIDDEN_DIM), dtype=jnp.float32) / np.sqrt(
        HIDDEN_DIM
    )
    b2 = jax.random.normal(k6, (OUT_DIM,), dtype=jnp.float32) * 0.01
    return {"x": x, "edge_index": edge_index, "W1": W1, "b1": b1, "W2": W2, "b2": b2}


def reference(x, edge_index, W1, b1, W2, b2):
    # g.update_all(gcn_message_func, gcn_reduce_func): copy src feature, sum at dst
    src = edge_index[0]
    dst = edge_index[1]
    msgs = jnp.take(x, src, axis=0)  # gather: [E, in_dim]
    agg = jax.ops.segment_sum(
        msgs, dst, num_segments=N_NODES
    )  # scatter-add: [N, in_dim]
    # LFAR: h = relu(linear(agg))  (transposes in the original cancel)
    h = jax.nn.relu(agg @ W1.T + b1)  # [N, hidden]
    # LFARN: out = linear(h).t()
    out = h @ W2.T + b2  # [N, out_dim]
    return out.T  # [out_dim, N]

if __name__ == "__main__":
    import jax
    _d = setup_inputs()
    print(jax.jit(kernel)(*tuple(_d.values())))

</pallas_src>

<mosaic_0001>
#map = affine_map<(d0, d1) -> (0, 0)>
#map1 = affine_map<(d0, d1) -> (0, 0, 0)>
#map2 = affine_map<(d0, d1) -> (0, 0, 0, 0)>
module attributes {stable_mosaic.version = 14 : i64} {
  func.func @sc_kernel(%arg0: i32, %arg1: i32, %arg2: memref<10000x128xf32, #tpu.memory_space<hbm>>, %arg3: memref<2x2500x128xi32, #tpu.memory_space<hbm>>, %arg4: memref<10112x64xf32, #tpu.memory_space<hbm>>, %arg5: memref<2x2x10112x64xf32, #tpu.memory_space<hbm>>, %arg6: memref<10112x64xf32, #tpu.memory_space<vmem_shared>>, %arg7: memref<10112x64xf32, #tpu.memory_space<vmem_shared>>, %arg8: memref<80x128xi32, #tpu.memory_space<vmem>>, %arg9: memref<80x128xi32, #tpu.memory_space<vmem>>, %arg10: memref<2x128x64xf32, #tpu.memory_space<vmem>>, %arg11: memref<!tpu.dma_semaphore, #tpu.memory_space<semaphore_mem>>, %arg12: memref<!tpu.dma_semaphore, #tpu.memory_space<semaphore_mem>>, %arg13: memref<!tpu.dma_semaphore, #tpu.memory_space<semaphore_mem>>, %arg14: memref<!tpu.dma_semaphore, #tpu.memory_space<semaphore_mem>>) attributes {dimension_semantics = [#tpu.dimension_semantics<core_parallel>, #tpu.dimension_semantics<subcore_parallel>], iteration_bounds = array<i64: 2, 16>, scalar_prefetch = 0 : i64, scratch_operands = 9 : i64, tpu.core_type = #tpu.core_type<sc_vector_subcore>, window_params = [{transform_indices = #map}, {transform_indices = #map1}, {transform_indices = #map}, {transform_indices = #map2}]} {
    %mul3A = arith.constant 632 : i32
    %mul3A_0 = arith.muli %arg1, %mul3A : i32
    %mul3A_1 = arith.constant 16 : i32
    %mul3A_2 = arith.muli %arg0, %mul3A_1 : i32
    %add3A = arith.addi %mul3A_2, %arg1 : i32
    %eq3A = arith.constant 31 : i32
    %eq3A_3 = arith.cmpi eq, %add3A, %eq3A : i32
    %select_n3A = arith.constant 40 : i32
    %select_n3A_4 = arith.constant 10 : i32
    %select_n3A_5 = arith.select %eq3A_3, %select_n3A_4, %select_n3A : i32
    %lt3A = arith.constant 31 : i32
    %lt3A_6 = arith.cmpi slt, %add3A, %lt3A : i32
    %convert_element_type3A = arith.extui %lt3A_6 : i1 to i32
    %cond3A = arith.constant 0 : i32
    %cond3A_7 = arith.cmpi ne, %convert_element_type3A, %cond3A : i32
    scf.if %cond3A_7 {
      %mul3A_133 = arith.constant 80 : i32
      %mul3A_134 = arith.muli %add3A, %mul3A_133 : i32
      %run_scoped3A_135 = arith.constant 0 : i32
      "tpu.region"() ({
        %run_scoped3A_139 = tpu.sem_alloc : memref<!tpu.dma_semaphore, #tpu.memory_space<semaphore_mem>>
        %dma_start3A_140 = arith.constant 0 : i32
        %dma_start3A_141 = tpu.memref_slice %arg3[%run_scoped3A_135, %mul3A_134, %dma_start3A_140] : memref<2x2500x128xi32, #tpu.memory_space<hbm>> -> memref<1x80x128xi32, #tpu.memory_space<hbm>>
        %dma_start3A_142 = tpu.memref_squeeze %dma_start3A_141 : memref<1x80x128xi32, #tpu.memory_space<hbm>> -> memref<80x128xi32, #tpu.memory_space<hbm>>
        %dma_start3A_143 = arith.constant 0 : i32
        %dma_start3A_144 = tpu.memref_slice %arg3[%run_scoped3A_135, %mul3A_134, %dma_start3A_143] : memref<2x2500x128xi32, #tpu.memory_space<hbm>> -> memref<1x80x128xi32, #tpu.memory_space<hbm>>
        %dma_start3A_145 = tpu.memref_squeeze %dma_start3A_144 : memref<1x80x128xi32, #tpu.memory_space<hbm>> -> memref<80x128xi32, #tpu.memory_space<hbm>>
        tpu.enqueue_dma source(%dma_start3A_145 : memref<80x128xi32, #tpu.memory_space<hbm>>) target(%arg8 : memref<80x128xi32, #tpu.memory_space<vmem>>) target_semaphore(%run_scoped3A_139 : memref<!tpu.dma_semaphore, #tpu.memory_space<semaphore_mem>>)
        %dma_wait3A = arith.constant 0 : i32
        %dma_wait3A_146 = tpu.memref_slice %arg3[%run_scoped3A_135, %mul3A_134, %dma_wait3A] : memref<2x2500x128xi32, #tpu.memory_space<hbm>> -> memref<1x80x128xi32, #tpu.memory_space<hbm>>
        %dma_wait3A_147 = tpu.memref_squeeze %dma_wait3A_146 : memref<1x80x128xi32, #tpu.memory_space<hbm>> -> memref<80x128xi32, #tpu.memory_space<hbm>>
        %dma_wait3A_148 = arith.constant 0 : i32
        %dma_wait3A_149 = tpu.memref_slice %arg3[%run_scoped3A_135, %mul3A_134, %dma_wait3A_148] : memref<2x2500x128xi32, #tpu.memory_space<hbm>> -> memref<1x80x128xi32, #tpu.memory_space<hbm>>
        %dma_wait3A_150 = tpu.memref_squeeze %dma_wait3A_149 : memref<1x80x128xi32, #tpu.memory_space<hbm>> -> memref<80x128xi32, #tpu.memory_space<hbm>>
        tpu.wait_dma2 semaphore(%run_scoped3A_139 : memref<!tpu.dma_semaphore, #tpu.memory_space<semaphore_mem>>) src(%dma_wait3A_150 : memref<80x128xi32, #tpu.memory_space<hbm>>) dst(%arg8 : memref<80x128xi32, #tpu.memory_space<vmem>>)
        tpu.yield
      }) : () -> ()
      %mul3A_136 = arith.constant 80 : i32
      %mul3A_137 = arith.muli %add3A, %mul3A_136 : i32
      %run_scoped3A_138 = arith.constant 1 : i32
      "tpu.region"() ({
        %run_scoped3A_139 = tpu.sem_alloc : memref<!tpu.dma_semaphore, #tpu.memory_space<semaphore_mem>>
        %dma_start3A_140 = arith.constant 0 : i32
        %dma_start3A_141 = tpu.memref_slice %arg3[%run_scoped3A_138, %mul3A_137, %dma_start3A_140] : memref<2x2500x128xi32, #tpu.memory_space<hbm>> -> memref<1x80x128xi32, #tpu.memory_space<hbm>>
        %dma_start3A_142 = tpu.memref_squeeze %dma_start3A_141 : memref<1x80x128xi32, #tpu.memory_space<hbm>> -> memref<80x128xi32, #tpu.memory_space<hbm>>
        %dma_start3A_143 = arith.constant 0 : i32
        %dma_start3A_144 = tpu.memref_slice %arg3[%run_scoped3A_138, %mul3A_137, %dma_start3A_143] : memref<2x2500x128xi32, #tpu.memory_space<hbm>> -> memref<1x80x128xi32, #tpu.memory_space<hbm>>
        %dma_start3A_145 = tpu.memref_squeeze %dma_start3A_144 : memref<1x80x128xi32, #tpu.memory_space<hbm>> -> memref<80x128xi32, #tpu.memory_space<hbm>>
        tpu.enqueue_dma source(%dma_start3A_145 : memref<80x128xi32, #tpu.memory_space<hbm>>) target(%arg9 : memref<80x128xi32, #tpu.memory_space<vmem>>) target_semaphore(%run_scoped3A_139 : memref<!tpu.dma_semaphore, #tpu.memory_space<semaphore_mem>>)
        %dma_wait3A = arith.constant 0 : i32
        %dma_wait3A_146 = tpu.memref_slice %arg3[%run_scoped3A_138, %mul3A_137, %dma_wait3A] : memref<2x2500x128xi32, #tpu.memory_space<hbm>> -> memref<1x80x128xi32, #tpu.memory_space<hbm>>
        %dma_wait3A_147 = tpu.memref_squeeze %dma_wait3A_146 : memref<1x80x128xi32, #tpu.memory_space<hbm>> -> memref<80x128xi32, #tpu.memory_space<hbm>>
        %dma_wait3A_148 = arith.constant 0 : i32
        %dma_wait3A_149 = tpu.memref_slice %arg3[%run_scoped3A_138, %mul3A_137, %dma_wait3A_148] : memref<2x2500x128xi32, #tpu.memory_space<hbm>> -> memref<1x80x128xi32, #tpu.memory_space<hbm>>
        %dma_wait3A_150 = tpu.memref_squeeze %dma_wait3A_149 : memref<1x80x128xi32, #tpu.memory_space<hbm>> -> memref<80x128xi32, #tpu.memory_space<hbm>>
        tpu.wait_dma2 semaphore(%run_scoped3A_139 : memref<!tpu.dma_semaphore, #tpu.memory_space<semaphore_mem>>) src(%dma_wait3A_150 : memref<80x128xi32, #tpu.memory_space<hbm>>) dst(%arg9 : memref<80x128xi32, #tpu.memory_space<vmem>>)
        tpu.yield
      }) : () -> ()
    } else {
    }
    %eq3A_8 = arith.constant 31 : i32
    %eq3A_9 = arith.cmpi eq, %add3A, %eq3A_8 : i32
    %convert_element_type3A_10 = arith.extui %eq3A_9 : i1 to i32
    %cond3A_11 = arith.constant 0 : i32
    %cond3A_12 = arith.cmpi ne, %convert_element_type3A_10, %cond3A_11 : i32
    scf.if %cond3A_12 {
      %run_scoped3A_133 = arith.constant 0 : i32
      "tpu.region"() ({
        %run_scoped3A_135 = tpu.sem_alloc : memref<!tpu.dma_semaphore, #tpu.memory_space<semaphore_mem>>
        %dma_start3A_136 = arith.constant 0 : i32
        %dma_start3A_137 = arith.constant 0 : i32
        %dma_start3A_138 = tpu.memref_slice %arg8[%dma_start3A_136, %dma_start3A_137] : memref<80x128xi32, #tpu.memory_space<vmem>> -> memref<20x128xi32, #tpu.memory_space<vmem>>
        %dma_start3A_139 = arith.constant 2480 : i32
        %dma_start3A_140 = arith.constant 0 : i32
        %dma_start3A_141 = tpu.memref_slice %arg3[%run_scoped3A_133, %dma_start3A_139, %dma_start3A_140] : memref<2x2500x128xi32, #tpu.memory_space<hbm>> -> memref<1x20x128xi32, #tpu.memory_space<hbm>>
        %dma_start3A_142 = tpu.memref_squeeze %dma_start3A_141 : memref<1x20x128xi32, #tpu.memory_space<hbm>> -> memref<20x128xi32, #tpu.memory_space<hbm>>
        %dma_start3A_143 = arith.constant 0 : i32
        %dma_start3A_144 = arith.constant 0 : i32
        %dma_start3A_145 = tpu.memref_slice %arg8[%dma_start3A_143, %dma_start3A_144] : memref<80x128xi32, #tpu.memory_space<vmem>> -> memref<20x128xi32, #tpu.memory_space<vmem>>
        %dma_start3A_146 = arith.constant 2480 : i32
        %dma_start3A_147 = arith.constant 0 : i32
        %dma_start3A_148 = tpu.memref_slice %arg3[%run_scoped3A_133, %dma_start3A_146, %dma_start3A_147] : memref<2x2500x128xi32, #tpu.memory_space<hbm>> -> memref<1x20x128xi32, #tpu.memory_space<hbm>>
        %dma_start3A_149 = tpu.memref_squeeze %dma_start3A_148 : memref<1x20x128xi32, #tpu.memory_space<hbm>> -> memref<20x128xi32, #tpu.memory_space<hbm>>
        tpu.enqueue_dma source(%dma_start3A_149 : memref<20x128xi32, #tpu.memory_space<hbm>>) target(%dma_start3A_145 : memref<20x128xi32, #tpu.memory_space<vmem>>) target_semaphore(%run_scoped3A_135 : memref<!tpu.dma_semaphore, #tpu.memory_space<semaphore_mem>>)
        %dma_wait3A = arith.constant 0 : i32
        %dma_wait3A_150 = arith.constant 0 : i32
        %dma_wait3A_151 = tpu.memref_slice %arg8[%dma_wait3A, %dma_wait3A_150] : memref<80x128xi32, #tpu.memory_space<vmem>> -> memref<20x128xi32, #tpu.memory_space<vmem>>
        %dma_wait3A_152 = arith.constant 2480 : i32
        %dma_wait3A_153 = arith.constant 0 : i32
        %dma_wait3A_154 = tpu.memref_slice %arg3[%run_scoped3A_133, %dma_wait3A_152, %dma_wait3A_153] : memref<2x2500x128xi32, #tpu.memory_space<hbm>> -> memref<1x20x128xi32, #tpu.memory_space<hbm>>
        %dma_wait3A_155 = tpu.memref_squeeze %dma_wait3A_154 : memref<1x20x128xi32, #tpu.memory_space<hbm>> -> memref<20x128xi32, #tpu.memory_space<hbm>>
        %dma_wait3A_156 = arith.constant 0 : i32
        %dma_wait3A_157 = arith.constant 0 : i32
        %dma_wait3A_158 = tpu.memref_slice %arg8[%dma_wait3A_156, %dma_wait3A_157] : memref<80x128xi32, #tpu.memory_space<vmem>> -> memref<20x128xi32, #tpu.memory_space<vmem>>
        %dma_wait3A_159 = arith.constant 2480 : i32
        %dma_wait3A_160 = arith.constant 0 : i32
        %dma_wait3A_161 = tpu.memref_slice %arg3[%run_scoped3A_133, %dma_wait3A_159, %dma_wait3A_160] : memref<2x2500x128xi32, #tpu.memory_space<hbm>> -> memref<1x20x128xi32, #tpu.memory_space<hbm>>
        %dma_wait3A_162 = tpu.memref_squeeze %dma_wait3A_161 : memref<1x20x128xi32, #tpu.memory_space<hbm>> -> memref<20x128xi32, #tpu.memory_space<hbm>>
        tpu.wait_dma2 semaphore(%run_scoped3A_135 : memref<!tpu.dma_semaphore, #tpu.memory_space<semaphore_mem>>) src(%dma_wait3A_162 : memref<20x128xi32, #tpu.memory_space<hbm>>) dst(%dma_wait3A_158 : memref<20x128xi32, #tpu.memory_space<vmem>>)
        tpu.yield
      }) : () -> ()
      %run_scoped3A_134 = arith.constant 1 : i32
      "tpu.region"() ({
        %run_scoped3A_135 = tpu.sem_alloc : memref<!tpu.dma_semaphore, #tpu.memory_space<semaphore_mem>>
        %dma_start3A_136 = arith.constant 0 : i32
        %dma_start3A_137 = arith.constant 0 : i32
        %dma_start3A_138 = tpu.memref_slice %arg9[%dma_start3A_136, %dma_start3A_137] : memref<80x128xi32, #tpu.memory_space<vmem>> -> memref<20x128xi32, #tpu.memory_space<vmem>>
        %dma_start3A_139 = arith.constant 2480 : i32
        %dma_start3A_140 = arith.constant 0 : i32
        %dma_start3A_141 = tpu.memref_slice %arg3[%run_scoped3A_134, %dma_start3A_139, %dma_start3A_140] : memref<2x2500x128xi32, #tpu.memory_space<hbm>> -> memref<1x20x128xi32, #tpu.memory_space<hbm>>
        %dma_start3A_142 = tpu.memref_squeeze %dma_start3A_141 : memref<1x20x128xi32, #tpu.memory_space<hbm>> -> memref<20x128xi32, #tpu.memory_space<hbm>>
        %dma_start3A_143 = arith.constant 0 : i32
        %dma_start3A_144 = arith.constant 0 : i32
        %dma_start3A_145 = tpu.memref_slice %arg9[%dma_start3A_143, %dma_start3A_144] : memref<80x128xi32, #tpu.memory_space<vmem>> -> memref<20x128xi32, #tpu.memory_space<vmem>>
        %dma_start3A_146 = arith.constant 2480 : i32
        %dma_start3A_147 = arith.constant 0 : i32
        %dma_start3A_148 = tpu.memref_slice %arg3[%run_scoped3A_134, %dma_start3A_146, %dma_start3A_147] : memref<2x2500x128xi32, #tpu.memory_space<hbm>> -> memref<1x20x128xi32, #tpu.memory_space<hbm>>
        %dma_start3A_149 = tpu.memref_squeeze %dma_start3A_148 : memref<1x20x128xi32, #tpu.memory_space<hbm>> -> memref<20x128xi32, #tpu.memory_space<hbm>>
        tpu.enqueue_dma source(%dma_start3A_149 : memref<20x128xi32, #tpu.memory_space<hbm>>) target(%dma_start3A_145 : memref<20x128xi32, #tpu.memory_space<vmem>>) target_semaphore(%run_scoped3A_135 : memref<!tpu.dma_semaphore, #tpu.memory_space<semaphore_mem>>)
        %dma_wait3A = arith.constant 0 : i32
        %dma_wait3A_150 = arith.constant 0 : i32
        %dma_wait3A_151 = tpu.memref_slice %arg9[%dma_wait3A, %dma_wait3A_150] : memref<80x128xi32, #tpu.memory_space<vmem>> -> memref<20x128xi32, #tpu.memory_space<vmem>>
        %dma_wait3A_152 = arith.constant 2480 : i32
        %dma_wait3A_153 = arith.constant 0 : i32
        %dma_wait3A_154 = tpu.memref_slice %arg3[%run_scoped3A_134, %dma_wait3A_152, %dma_wait3A_153] : memref<2x2500x128xi32, #tpu.memory_space<hbm>> -> memref<1x20x128xi32, #tpu.memory_space<hbm>>
        %dma_wait3A_155 = tpu.memref_squeeze %dma_wait3A_154 : memref<1x20x128xi32, #tpu.memory_space<hbm>> -> memref<20x128xi32, #tpu.memory_space<hbm>>
        %dma_wait3A_156 = arith.constant 0 : i32
        %dma_wait3A_157 = arith.constant 0 : i32
        %dma_wait3A_158 = tpu.memref_slice %arg9[%dma_wait3A_156, %dma_wait3A_157] : memref<80x128xi32, #tpu.memory_space<vmem>> -> memref<20x128xi32, #tpu.memory_space<vmem>>
        %dma_wait3A_159 = arith.constant 2480 : i32
        %dma_wait3A_160 = arith.constant 0 : i32
        %dma_wait3A_161 = tpu.memref_slice %arg3[%run_scoped3A_134, %dma_wait3A_159, %dma_wait3A_160] : memref<2x2500x128xi32, #tpu.memory_space<hbm>> -> memref<1x20x128xi32, #tpu.memory_space<hbm>>
        %dma_wait3A_162 = tpu.memref_squeeze %dma_wait3A_161 : memref<1x20x128xi32, #tpu.memory_space<hbm>> -> memref<20x128xi32, #tpu.memory_space<hbm>>
        tpu.wait_dma2 semaphore(%run_scoped3A_135 : memref<!tpu.dma_semaphore, #tpu.memory_space<semaphore_mem>>) src(%dma_wait3A_162 : memref<20x128xi32, #tpu.memory_space<hbm>>) dst(%dma_wait3A_158 : memref<20x128xi32, #tpu.memory_space<vmem>>)
        tpu.yield
      }) : () -> ()
    } else {
    }
    %lt3A_13 = arith.constant 15 : i32
    %lt3A_14 = arith.cmpi slt, %arg1, %lt3A_13 : i32
    %convert_element_type3A_15 = arith.extui %lt3A_14 : i1 to i32
    %cond3A_16 = arith.constant 0 : i32
    %cond3A_17 = arith.cmpi ne, %convert_element_type3A_15, %cond3A_16 : i32
    scf.if %cond3A_17 {
      %mul3A_133 = arith.constant 632 : i32
      %mul3A_134 = arith.muli %arg1, %mul3A_133 : i32
      "tpu.region"() ({
        %run_scoped3A_135 = tpu.sem_alloc : memref<!tpu.dma_semaphore, #tpu.memory_space<semaphore_mem>>
        %dma_start3A_136 = arith.constant 0 : i32
        %dma_start3A_137 = tpu.memref_slice %arg6[%mul3A_0, %dma_start3A_136] : memref<10112x64xf32, #tpu.memory_space<vmem_shared>> -> memref<632x64xf32, #tpu.memory_space<vmem_shared>>
        %dma_start3A_138 = arith.constant 0 : i32
        %dma_start3A_139 = tpu.memref_slice %arg2[%mul3A_134, %dma_start3A_138] : memref<10000x128xf32, #tpu.memory_space<hbm>> -> memref<632x64xf32, #tpu.memory_space<hbm>>
        tpu.enqueue_dma source(%dma_start3A_139 : memref<632x64xf32, #tpu.memory_space<hbm>>) target(%dma_start3A_137 : memref<632x64xf32, #tpu.memory_space<vmem_shared>>) target_semaphore(%run_scoped3A_135 : memref<!tpu.dma_semaphore, #tpu.memory_space<semaphore_mem>>)
        %dma_wait3A = arith.constant 0 : i32
        %dma_wait3A_140 = tpu.memref_slice %arg6[%mul3A_0, %dma_wait3A] : memref<10112x64xf32, #tpu.memory_space<vmem_shared>> -> memref<632x64xf32, #tpu.memory_space<vmem_shared>>
        %dma_wait3A_141 = arith.constant 0 : i32
        %dma_wait3A_142 = tpu.memref_slice %arg2[%mul3A_134, %dma_wait3A_141] : memref<10000x128xf32, #tpu.memory_space<hbm>> -> memref<632x64xf32, #tpu.memory_space<hbm>>
        tpu.wait_dma2 semaphore(%run_scoped3A_135 : memref<!tpu.dma_semaphore, #tpu.memory_space<semaphore_mem>>) src(%dma_wait3A_142 : memref<632x64xf32, #tpu.memory_space<hbm>>) dst(%dma_wait3A_140 : memref<632x64xf32, #tpu.memory_space<vmem_shared>>)
        tpu.yield
      }) : () -> ()
    } else {
    }
    %eq3A_18 = arith.constant 15 : i32
    %eq3A_19 = arith.cmpi eq, %arg1, %eq3A_18 : i32
    %convert_element_type3A_20 = arith.extui %eq3A_19 : i1 to i32
    %cond3A_21 = arith.constant 0 : i32
    %cond3A_22 = arith.cmpi ne, %convert_element_type3A_20, %cond3A_21 : i32
    scf.if %cond3A_22 {
      "tpu.region"() ({
        %run_scoped3A_133 = tpu.sem_alloc : memref<!tpu.dma_semaphore, #tpu.memory_space<semaphore_mem>>
        %dma_start3A_134 = arith.constant 9480 : i32
        %dma_start3A_135 = arith.constant 0 : i32
        %dma_start3A_136 = tpu.memref_slice %arg6[%dma_start3A_134, %dma_start3A_135] : memref<10112x64xf32, #tpu.memory_space<vmem_shared>> -> memref<520x64xf32, #tpu.memory_space<vmem_shared>>
        %dma_start3A_137 = arith.constant 9480 : i32
        %dma_start3A_138 = arith.constant 0 : i32
        %dma_start3A_139 = tpu.memref_slice %arg2[%dma_start3A_137, %dma_start3A_138] : memref<10000x128xf32, #tpu.memory_space<hbm>> -> memref<520x64xf32, #tpu.memory_space<hbm>>
        tpu.enqueue_dma source(%dma_start3A_139 : memref<520x64xf32, #tpu.memory_space<hbm>>) target(%dma_start3A_136 : memref<520x64xf32, #tpu.memory_space<vmem_shared>>) target_semaphore(%run_scoped3A_133 : memref<!tpu.dma_semaphore, #tpu.memory_space<semaphore_mem>>)
        %dma_wait3A = arith.constant 9480 : i32
        %dma_wait3A_140 = arith.constant 0 : i32
        %dma_wait3A_141 = tpu.memref_slice %arg6[%dma_wait3A, %dma_wait3A_140] : memref<10112x64xf32, #tpu.memory_space<vmem_shared>> -> memref<520x64xf32, #tpu.memory_space<vmem_shared>>
        %dma_wait3A_142 = arith.constant 9480 : i32
        %dma_wait3A_143 = arith.constant 0 : i32
        %dma_wait3A_144 = tpu.memref_slice %arg2[%dma_wait3A_142, %dma_wait3A_143] : memref<10000x128xf32, #tpu.memory_space<hbm>> -> memref<520x64xf32, #tpu.memory_space<hbm>>
        tpu.wait_dma2 semaphore(%run_scoped3A_133 : memref<!tpu.dma_semaphore, #tpu.memory_space<semaphore_mem>>) src(%dma_wait3A_144 : memref<520x64xf32, #tpu.memory_space<hbm>>) dst(%dma_wait3A_141 : memref<520x64xf32, #tpu.memory_space<vmem_shared>>)
        tpu.yield
      }) : () -> ()
    } else {
    }
    "tpu.region"() ({
      %run_scoped3A_133 = tpu.sem_alloc : memref<!tpu.dma_semaphore, #tpu.memory_space<semaphore_mem>>
      %dma_start3A_134 = arith.constant 0 : i32
      %dma_start3A_135 = tpu.memref_slice %arg7[%mul3A_0, %dma_start3A_134] : memref<10112x64xf32, #tpu.memory_space<vmem_shared>> -> memref<632x64xf32, #tpu.memory_space<vmem_shared>>
      %dma_start3A_136 = arith.constant 0 : i32
      %dma_start3A_137 = tpu.memref_slice %arg4[%mul3A_0, %dma_start3A_136] : memref<10112x64xf32, #tpu.memory_space<hbm>> -> memref<632x64xf32, #tpu.memory_space<hbm>>
      tpu.enqueue_dma source(%dma_start3A_137 : memref<632x64xf32, #tpu.memory_space<hbm>>) target(%dma_start3A_135 : memref<632x64xf32, #tpu.memory_space<vmem_shared>>) target_semaphore(%run_scoped3A_133 : memref<!tpu.dma_semaphore, #tpu.memory_space<semaphore_mem>>)
      %dma_wait3A = arith.constant 0 : i32
      %dma_wait3A_138 = tpu.memref_slice %arg7[%mul3A_0, %dma_wait3A] : memref<10112x64xf32, #tpu.memory_space<vmem_shared>> -> memref<632x64xf32, #tpu.memory_space<vmem_shared>>
      %dma_wait3A_139 = arith.constant 0 : i32
      %dma_wait3A_140 = tpu.memref_slice %arg4[%mul3A_0, %dma_wait3A_139] : memref<10112x64xf32, #tpu.memory_space<hbm>> -> memref<632x64xf32, #tpu.memory_space<hbm>>
      tpu.wait_dma2 semaphore(%run_scoped3A_133 : memref<!tpu.dma_semaphore, #tpu.memory_space<semaphore_mem>>) src(%dma_wait3A_140 : memref<632x64xf32, #tpu.memory_space<hbm>>) dst(%dma_wait3A_138 : memref<632x64xf32, #tpu.memory_space<vmem_shared>>)
      tpu.yield
    }) : () -> ()
    %barrier3A = arith.constant 0 : index
    tpu.barrier barrier_id(%barrier3A)
    %mul3A_23 = arith.constant 0 : i32
    %mul3A_24 = arith.muli %mul3A_23, %select_n3A_5 : i32
    %add3A_25 = arith.constant 0 : i32
    %add3A_26 = arith.addi %mul3A_24, %add3A_25 : i32
    %dma_start3A = arith.constant 0 : i32
    %dma_start3A_27 = arith.constant 0 : i32
    %dma_start3A_28 = arith.constant 0 : i32
    %dma_start3A_29 = tpu.memref_slice %arg10[%dma_start3A, %dma_start3A_27, %dma_start3A_28] : memref<2x128x64xf32, #tpu.memory_space<vmem>> -> memref<1x128x64xf32, #tpu.memory_space<vmem>>
    %dma_start3A_30 = tpu.memref_squeeze %dma_start3A_29 : memref<1x128x64xf32, #tpu.memory_space<vmem>> -> memref<128x64xf32, #tpu.memory_space<vmem>>
    %dma_start3A_31 = arith.constant 0 : i32
    %dma_start3A_32 = tpu.memref_slice %arg8[%add3A_26, %dma_start3A_31] : memref<80x128xi32, #tpu.memory_space<vmem>> -> memref<1x128xi32, #tpu.memory_space<vmem>>
    %dma_start3A_33 = tpu.memref_squeeze %dma_start3A_32 : memref<1x128xi32, #tpu.memory_space<vmem>> -> memref<128xi32, #tpu.memory_space<vmem>>
    %dma_start3A_34 = arith.constant 0 : i32
    %dma_start3A_35 = arith.constant 0 : i32
    %dma_start3A_36 = tpu.memref_slice %arg6[%dma_start3A_34, %dma_start3A_35] : memref<10112x64xf32, #tpu.memory_space<vmem_shared>> -> memref<10112x64xf32, #tpu.memory_space<vmem_shared>>
    tpu.enqueue_indirect_dma source(%dma_start3A_36 : memref<10112x64xf32, #tpu.memory_space<vmem_shared>>) target(%dma_start3A_30 : memref<128x64xf32, #tpu.memory_space<vmem>>) offsets(%dma_start3A_33 : memref<128xi32, #tpu.memory_space<vmem>>) semaphore(%arg11 : memref<!tpu.dma_semaphore, #tpu.memory_space<semaphore_mem>>)
    %mul3A_37 = arith.constant 1 : i32
    %mul3A_38 = arith.muli %mul3A_37, %select_n3A_5 : i32
    %add3A_39 = arith.constant 0 : i32
    %add3A_40 = arith.addi %mul3A_38, %add3A_39 : i32
    %dma_start3A_41 = arith.constant 1 : i32
    %dma_start3A_42 = arith.constant 0 : i32
    %dma_start3A_43 = arith.constant 0 : i32
    %dma_start3A_44 = tpu.memref_slice %arg10[%dma_start3A_41, %dma_start3A_42, %dma_start3A_43] : memref<2x128x64xf32, #tpu.memory_space<vmem>> -> memref<1x128x64xf32, #tpu.memory_space<vmem>>
    %dma_start3A_45 = tpu.memref_squeeze %dma_start3A_44 : memref<1x128x64xf32, #tpu.memory_space<vmem>> -> memref<128x64xf32, #tpu.memory_space<vmem>>
    %dma_start3A_46 = arith.constant 0 : i32
    %dma_start3A_47 = tpu.memref_slice %arg8[%add3A_40, %dma_start3A_46] : memref<80x128xi32, #tpu.memory_space<vmem>> -> memref<1x128xi32, #tpu.memory_space<vmem>>
    %dma_start3A_48 = tpu.memref_squeeze %dma_start3A_47 : memref<1x128xi32, #tpu.memory_space<vmem>> -> memref<128xi32, #tpu.memory_space<vmem>>
    %dma_start3A_49 = arith.constant 0 : i32
    %dma_start3A_50 = arith.constant 0 : i32
    %dma_start3A_51 = tpu.memref_slice %arg6[%dma_start3A_49, %dma_start3A_50] : memref<10112x64xf32, #tpu.memory_space<vmem_shared>> -> memref<10112x64xf32, #tpu.memory_space<vmem_shared>>
    tpu.enqueue_indirect_dma source(%dma_start3A_51 : memref<10112x64xf32, #tpu.memory_space<vmem_shared>>) target(%dma_start3A_45 : memref<128x64xf32, #tpu.memory_space<vmem>>) offsets(%dma_start3A_48 : memref<128xi32, #tpu.memory_space<vmem>>) semaphore(%arg12 : memref<!tpu.dma_semaphore, #tpu.memory_space<semaphore_mem>>)
    %sub3A = arith.constant 0 : i32
    %sub3A_52 = arith.subi %select_n3A_5, %sub3A : i32
    %sub3A_53 = arith.constant 1 : i32
    %sub3A_54 = arith.constant 1 : i32
    %sub3A_55 = arith.subi %sub3A_53, %sub3A_54 : i32
    %add3A_56 = arith.addi %sub3A_52, %sub3A_55 : i32
    %div3A = arith.constant 1 : i32
    %div3A_57 = arith.divsi %add3A_56, %div3A : i32
    %while3A = arith.constant 1 : i32
    %while3A_58 = arith.constant 0 : i32
    %while3A_59 = arith.constant 0 : i32
    %while3A_60 = arith.subi %div3A_57, %while3A_59 : i32
    %while3A_61 = arith.addi %while3A_59, %while3A_60 : i32
    %while3A_62 = arith.constant 1 : i32
    %while3A_63 = arith.divsi %while3A_60, %while3A_62 : i32
    %while3A_64 = arith.muli %while3A_63, %while3A_62 : i32
    %while3A_65 = arith.addi %while3A_59, %while3A_64 : i32
    %while3A_66 = arith.constant 1 : i32
    scf.for %while3A_133 = %while3A_59 to %while3A_65 step %while3A_66  : i32 {
      %mul3A_134 = arith.muli %while3A_133, %while3A : i32
      %add3A_135 = arith.addi %while3A_58, %mul3A_134 : i32
      %mul3A_136 = arith.constant 0 : i32
      %mul3A_137 = arith.muli %mul3A_136, %select_n3A_5 : i32
      %add3A_138 = arith.addi %mul3A_137, %add3A_135 : i32
      %dma_wait3A = arith.constant 0 : i32
      %dma_wait3A_139 = arith.constant 0 : i32
      %dma_wait3A_140 = arith.constant 0 : i32
      %dma_wait3A_141 = tpu.memref_slice %arg10[%dma_wait3A, %dma_wait3A_139, %dma_wait3A_140] : memref<2x128x64xf32, #tpu.memory_space<vmem>> -> memref<1x128x64xf32, #tpu.memory_space<vmem>>
      %dma_wait3A_142 = tpu.memref_squeeze %dma_wait3A_141 : memref<1x128x64xf32, #tpu.memory_space<vmem>> -> memref<128x64xf32, #tpu.memory_space<vmem>>
      %dma_wait3A_143 = arith.constant 0 : i32
      %dma_wait3A_144 = tpu.memref_slice %arg8[%add3A_138, %dma_wait3A_143] : memref<80x128xi32, #tpu.memory_space<vmem>> -> memref<1x128xi32, #tpu.memory_space<vmem>>
      %dma_wait3A_145 = tpu.memref_squeeze %dma_wait3A_144 : memref<1x128xi32, #tpu.memory_space<vmem>> -> memref<128xi32, #tpu.memory_space<vmem>>
      %dma_wait3A_146 = arith.constant 0 : i32
      %dma_wait3A_147 = arith.constant 0 : i32
      %dma_wait3A_148 = tpu.memref_slice %arg6[%dma_wait3A_146, %dma_wait3A_147] : memref<10112x64xf32, #tpu.memory_space<vmem_shared>> -> memref<10112x64xf32, #tpu.memory_space<vmem_shared>>
      tpu.wait_indirect_dma semaphore(%arg11 : memref<!tpu.dma_semaphore, #tpu.memory_space<semaphore_mem>>) src(%dma_wait3A_148 : memref<10112x64xf32, #tpu.memory_space<vmem_shared>>) dst(%dma_wait3A_142 : memref<128x64xf32, #tpu.memory_space<vmem>>)
      %mul3A_149 = arith.constant 0 : i32
      %mul3A_150 = arith.muli %mul3A_149, %select_n3A_5 : i32
      %add3A_151 = arith.addi %mul3A_150, %add3A_135 : i32
      %dma_start3A_152 = arith.constant 0 : i32
      %dma_start3A_153 = arith.constant 0 : i32
      %dma_start3A_154 = arith.constant 0 : i32
      %dma_start3A_155 = tpu.memref_slice %arg10[%dma_start3A_152, %dma_start3A_153, %dma_start3A_154] : memref<2x128x64xf32, #tpu.memory_space<vmem>> -> memref<1x128x64xf32, #tpu.memory_space<vmem>>
      %dma_start3A_156 = tpu.memref_squeeze %dma_start3A_155 : memref<1x128x64xf32, #tpu.memory_space<vmem>> -> memref<128x64xf32, #tpu.memory_space<vmem>>
      %dma_start3A_157 = arith.constant 0 : i32
      %dma_start3A_158 = tpu.memref_slice %arg9[%add3A_151, %dma_start3A_157] : memref<80x128xi32, #tpu.memory_space<vmem>> -> memref<1x128xi32, #tpu.memory_space<vmem>>
      %dma_start3A_159 = tpu.memref_squeeze %dma_start3A_158 : memref<1x128xi32, #tpu.memory_space<vmem>> -> memref<128xi32, #tpu.memory_space<vmem>>
      %dma_start3A_160 = arith.constant 0 : i32
      %dma_start3A_161 = arith.constant 0 : i32
      %dma_start3A_162 = tpu.memref_slice %arg7[%dma_start3A_160, %dma_start3A_161] : memref<10112x64xf32, #tpu.memory_space<vmem_shared>> -> memref<10112x64xf32, #tpu.memory_space<vmem_shared>>
      tpu.enqueue_indirect_dma source(%dma_start3A_156 : memref<128x64xf32, #tpu.memory_space<vmem>>) target(%dma_start3A_162 : memref<10112x64xf32, #tpu.memory_space<vmem_shared>>) offsets(%dma_start3A_159 : memref<128xi32, #tpu.memory_space<vmem>>) semaphore(%arg13 : memref<!tpu.dma_semaphore, #tpu.memory_space<semaphore_mem>>) {add = true}
      %mul3A_163 = arith.constant 1 : i32
      %mul3A_164 = arith.muli %mul3A_163, %select_n3A_5 : i32
      %add3A_165 = arith.addi %mul3A_164, %add3A_135 : i32
      %dma_wait3A_166 = arith.constant 1 : i32
      %dma_wait3A_167 = arith.constant 0 : i32
      %dma_wait3A_168 = arith.constant 0 : i32
      %dma_wait3A_169 = tpu.memref_slice %arg10[%dma_wait3A_166, %dma_wait3A_167, %dma_wait3A_168] : memref<2x128x64xf32, #tpu.memory_space<vmem>> -> memref<1x128x64xf32, #tpu.memory_space<vmem>>
      %dma_wait3A_170 = tpu.memref_squeeze %dma_wait3A_169 : memref<1x128x64xf32, #tpu.memory_space<vmem>> -> memref<128x64xf32, #tpu.memory_space<vmem>>
      %dma_wait3A_171 = arith.constant 0 : i32
      %dma_wait3A_172 = tpu.memref_slice %arg8[%add3A_165, %dma_wait3A_171] : memref<80x128xi32, #tpu.memory_space<vmem>> -> memref<1x128xi32, #tpu.memory_space<vmem>>
      %dma_wait3A_173 = tpu.memref_squeeze %dma_wait3A_172 : memref<1x128xi32, #tpu.memory_space<vmem>> -> memref<128xi32, #tpu.memory_space<vmem>>
      %dma_wait3A_174 = arith.constant 0 : i32
      %dma_wait3A_175 = arith.constant 0 : i32
      %dma_wait3A_176 = tpu.memref_slice %arg6[%dma_wait3A_174, %dma_wait3A_175] : memref<10112x64xf32, #tpu.memory_space<vmem_shared>> -> memref<10112x64xf32, #tpu.memory_space<vmem_shared>>
      tpu.wait_indirect_dma semaphore(%arg12 : memref<!tpu.dma_semaphore, #tpu.memory_space<semaphore_mem>>) src(%dma_wait3A_176 : memref<10112x64xf32, #tpu.memory_space<vmem_shared>>) dst(%dma_wait3A_170 : memref<128x64xf32, #tpu.memory_space<vmem>>)
      %mul3A_177 = arith.constant 1 : i32
      %mul3A_178 = arith.muli %mul3A_177, %select_n3A_5 : i32
      %add3A_179 = arith.addi %mul3A_178, %add3A_135 : i32
      %dma_start3A_180 = arith.constant 1 : i32
      %dma_start3A_181 = arith.constant 0 : i32
      %dma_start3A_182 = arith.constant 0 : i32
      %dma_start3A_183 = tpu.memref_slice %arg10[%dma_start3A_180, %dma_start3A_181, %dma_start3A_182] : memref<2x128x64xf32, #tpu.memory_space<vmem>> -> memref<1x128x64xf32, #tpu.memory_space<vmem>>
      %dma_start3A_184 = tpu.memref_squeeze %dma_start3A_183 : memref<1x128x64xf32, #tpu.memory_space<vmem>> -> memref<128x64xf32, #tpu.memory_space<vmem>>
      %dma_start3A_185 = arith.constant 0 : i32
      %dma_start3A_186 = tpu.memref_slice %arg9[%add3A_179, %dma_start3A_185] : memref<80x128xi32, #tpu.memory_space<vmem>> -> memref<1x128xi32, #tpu.memory_space<vmem>>
      %dma_start3A_187 = tpu.memref_squeeze %dma_start3A_186 : memref<1x128xi32, #tpu.memory_space<vmem>> -> memref<128xi32, #tpu.memory_space<vmem>>
      %dma_start3A_188 = arith.constant 0 : i32
      %dma_start3A_189 = arith.constant 0 : i32
      %dma_start3A_190 = tpu.memref_slice %arg7[%dma_start3A_188, %dma_start3A_189] : memref<10112x64xf32, #tpu.memory_space<vmem_shared>> -> memref<10112x64xf32, #tpu.memory_space<vmem_shared>>
      tpu.enqueue_indirect_dma source(%dma_start3A_184 : memref<128x64xf32, #tpu.memory_space<vmem>>) target(%dma_start3A_190 : memref<10112x64xf32, #tpu.memory_space<vmem_shared>>) offsets(%dma_start3A_187 : memref<128xi32, #tpu.memory_space<vmem>>) semaphore(%arg14 : memref<!tpu.dma_semaphore, #tpu.memory_space<semaphore_mem>>) {add = true}
      %mul3A_191 = arith.constant 0 : i32
      %mul3A_192 = arith.muli %mul3A_191, %select_n3A_5 : i32
      %add3A_193 = arith.addi %mul3A_192, %add3A_135 : i32
      %dma_wait3A_194 = arith.constant 0 : i32
      %dma_wait3A_195 = arith.constant 0 : i32
      %dma_wait3A_196 = arith.constant 0 : i32
      %dma_wait3A_197 = tpu.memref_slice %arg10[%dma_wait3A_194, %dma_wait3A_195, %dma_wait3A_196] : memref<2x128x64xf32, #tpu.memory_space<vmem>> -> memref<1x128x64xf32, #tpu.memory_space<vmem>>
      %dma_wait3A_198 = tpu.memref_squeeze %dma_wait3A_197 : memref<1x128x64xf32, #tpu.memory_space<vmem>> -> memref<128x64xf32, #tpu.memory_space<vmem>>
      %dma_wait3A_199 = arith.constant 0 : i32
      %dma_wait3A_200 = tpu.memref_slice %arg9[%add3A_193, %dma_wait3A_199] : memref<80x128xi32, #tpu.memory_space<vmem>> -> memref<1x128xi32, #tpu.memory_space<vmem>>
      %dma_wait3A_201 = tpu.memref_squeeze %dma_wait3A_200 : memref<1x128xi32, #tpu.memory_space<vmem>> -> memref<128xi32, #tpu.memory_space<vmem>>
      %dma_wait3A_202 = arith.constant 0 : i32
      %dma_wait3A_203 = arith.constant 0 : i32
      %dma_wait3A_204 = tpu.memref_slice %arg7[%dma_wait3A_202, %dma_wait3A_203] : memref<10112x64xf32, #tpu.memory_space<vmem_shared>> -> memref<10112x64xf32, #tpu.memory_space<vmem_shared>>
      tpu.wait_indirect_dma semaphore(%arg13 : memref<!tpu.dma_semaphore, #tpu.memory_space<semaphore_mem>>) src(%dma_wait3A_198 : memref<128x64xf32, #tpu.memory_space<vmem>>) dst(%dma_wait3A_204 : memref<10112x64xf32, #tpu.memory_space<vmem_shared>>)
      %sub3A_205 = arith.constant 1 : i32
      %sub3A_206 = arith.subi %select_n3A_5, %sub3A_205 : i32
      %lt3A_207 = arith.cmpi slt, %add3A_135, %sub3A_206 : i32
      %convert_element_type3A_208 = arith.extui %lt3A_207 : i1 to i32
      %cond3A_209 = arith.constant 0 : i32
      %cond3A_210 = arith.cmpi ne, %convert_element_type3A_208, %cond3A_209 : i32
      scf.if %cond3A_210 {
        %add3A_231 = arith.constant 1 : i32
        %add3A_232 = arith.addi %add3A_135, %add3A_231 : i32
        %mul3A_233 = arith.constant 0 : i32
        %mul3A_234 = arith.muli %mul3A_233, %select_n3A_5 : i32
        %add3A_235 = arith.addi %mul3A_234, %add3A_232 : i32
        %dma_start3A_236 = arith.constant 0 : i32
        %dma_start3A_237 = arith.constant 0 : i32
        %dma_start3A_238 = arith.constant 0 : i32
        %dma_start3A_239 = tpu.memref_slice %arg10[%dma_start3A_236, %dma_start3A_237, %dma_start3A_238] : memref<2x128x64xf32, #tpu.memory_space<vmem>> -> memref<1x128x64xf32, #tpu.memory_space<vmem>>
        %dma_start3A_240 = tpu.memref_squeeze %dma_start3A_239 : memref<1x128x64xf32, #tpu.memory_space<vmem>> -> memref<128x64xf32, #tpu.memory_space<vmem>>
        %dma_start3A_241 = arith.constant 0 : i32
        %dma_start3A_242 = tpu.memref_slice %arg8[%add3A_235, %dma_start3A_241] : memref<80x128xi32, #tpu.memory_space<vmem>> -> memref<1x128xi32, #tpu.memory_space<vmem>>
        %dma_start3A_243 = tpu.memref_squeeze %dma_start3A_242 : memref<1x128xi32, #tpu.memory_space<vmem>> -> memref<128xi32, #tpu.memory_space<vmem>>
        %dma_start3A_244 = arith.constant 0 : i32
        %dma_start3A_245 = arith.constant 0 : i32
        %dma_start3A_246 = tpu.memref_slice %arg6[%dma_start3A_244, %dma_start3A_245] : memref<10112x64xf32, #tpu.memory_space<vmem_shared>> -> memref<10112x64xf32, #tpu.memory_space<vmem_shared>>
        tpu.enqueue_indirect_dma source(%dma_start3A_246 : memref<10112x64xf32, #tpu.memory_space<vmem_shared>>) target(%dma_start3A_240 : memref<128x64xf32, #tpu.memory_space<vmem>>) offsets(%dma_start3A_243 : memref<128xi32, #tpu.memory_space<vmem>>) semaphore(%arg11 : memref<!tpu.dma_semaphore, #tpu.memory_space<semaphore_mem>>)
      } else {
      }
      %mul3A_211 = arith.constant 1 : i32
      %mul3A_212 = arith.muli %mul3A_211, %select_n3A_5 : i32
      %add3A_213 = arith.addi %mul3A_212, %add3A_135 : i32
      %dma_wait3A_214 = arith.constant 1 : i32
      %dma_wait3A_215 = arith.constant 0 : i32
      %dma_wait3A_216 = arith.constant 0 : i32
      %dma_wait3A_217 = tpu.memref_slice %arg10[%dma_wait3A_214, %dma_wait3A_215, %dma_wait3A_216] : memref<2x128x64xf32, #tpu.memory_space<vmem>> -> memref<1x128x64xf32, #tpu.memory_space<vmem>>
      %dma_wait3A_218 = tpu.memref_squeeze %dma_wait3A_217 : memref<1x128x64xf32, #tpu.memory_space<vmem>> -> memref<128x64xf32, #tpu.memory_space<vmem>>
      %dma_wait3A_219 = arith.constant 0 : i32
      %dma_wait3A_220 = tpu.memref_slice %arg9[%add3A_213, %dma_wait3A_219] : memref<80x128xi32, #tpu.memory_space<vmem>> -> memref<1x128xi32, #tpu.memory_space<vmem>>
      %dma_wait3A_221 = tpu.memref_squeeze %dma_wait3A_220 : memref<1x128xi32, #tpu.memory_space<vmem>> -> memref<128xi32, #tpu.memory_space<vmem>>
      %dma_wait3A_222 = arith.constant 0 : i32
      %dma_wait3A_223 = arith.constant 0 : i32
      %dma_wait3A_224 = tpu.memref_slice %arg7[%dma_wait3A_222, %dma_wait3A_223] : memref<10112x64xf32, #tpu.memory_space<vmem_shared>> -> memref<10112x64xf32, #tpu.memory_space<vmem_shared>>
      tpu.wait_indirect_dma semaphore(%arg14 : memref<!tpu.dma_semaphore, #tpu.memory_space<semaphore_mem>>) src(%dma_wait3A_218 : memref<128x64xf32, #tpu.memory_space<vmem>>) dst(%dma_wait3A_224 : memref<10112x64xf32, #tpu.memory_space<vmem_shared>>)
      %sub3A_225 = arith.constant 1 : i32
      %sub3A_226 = arith.subi %select_n3A_5, %sub3A_225 : i32
      %lt3A_227 = arith.cmpi slt, %add3A_135, %sub3A_226 : i32
      %convert_element_type3A_228 = arith.extui %lt3A_227 : i1 to i32
      %cond3A_229 = arith.constant 0 : i32
      %cond3A_230 = arith.cmpi ne, %convert_element_type3A_228, %cond3A_229 : i32
      scf.if %cond3A_230 {
        %add3A_231 = arith.constant 1 : i32
        %add3A_232 = arith.addi %add3A_135, %add3A_231 : i32
        %mul3A_233 = arith.constant 1 : i32
        %mul3A_234 = arith.muli %mul3A_233, %select_n3A_5 : i32
        %add3A_235 = arith.addi %mul3A_234, %add3A_232 : i32
        %dma_start3A_236 = arith.constant 1 : i32
        %dma_start3A_237 = arith.constant 0 : i32
        %dma_start3A_238 = arith.constant 0 : i32
        %dma_start3A_239 = tpu.memref_slice %arg10[%dma_start3A_236, %dma_start3A_237, %dma_start3A_238] : memref<2x128x64xf32, #tpu.memory_space<vmem>> -> memref<1x128x64xf32, #tpu.memory_space<vmem>>
        %dma_start3A_240 = tpu.memref_squeeze %dma_start3A_239 : memref<1x128x64xf32, #tpu.memory_space<vmem>> -> memref<128x64xf32, #tpu.memory_space<vmem>>
        %dma_start3A_241 = arith.constant 0 : i32
        %dma_start3A_242 = tpu.memref_slice %arg8[%add3A_235, %dma_start3A_241] : memref<80x128xi32, #tpu.memory_space<vmem>> -> memref<1x128xi32, #tpu.memory_space<vmem>>
        %dma_start3A_243 = tpu.memref_squeeze %dma_start3A_242 : memref<1x128xi32, #tpu.memory_space<vmem>> -> memref<128xi32, #tpu.memory_space<vmem>>
        %dma_start3A_244 = arith.constant 0 : i32
        %dma_start3A_245 = arith.constant 0 : i32
        %dma_start3A_246 = tpu.memref_slice %arg6[%dma_start3A_244, %dma_start3A_245] : memref<10112x64xf32, #tpu.memory_space<vmem_shared>> -> memref<10112x64xf32, #tpu.memory_space<vmem_shared>>
        tpu.enqueue_indirect_dma source(%dma_start3A_246 : memref<10112x64xf32, #tpu.memory_space<vmem_shared>>) target(%dma_start3A_240 : memref<128x64xf32, #tpu.memory_space<vmem>>) offsets(%dma_start3A_243 : memref<128xi32, #tpu.memory_space<vmem>>) semaphore(%arg12 : memref<!tpu.dma_semaphore, #tpu.memory_space<semaphore_mem>>)
      } else {
      }
    }
    %while3A_67 = arith.constant 1 : i32
    scf.for %while3A_133 = %while3A_65 to %while3A_61 step %while3A_67  : i32 {
      %mul3A_134 = arith.muli %while3A_133, %while3A : i32
      %add3A_135 = arith.addi %while3A_58, %mul3A_134 : i32
      %mul3A_136 = arith.constant 0 : i32
      %mul3A_137 = arith.muli %mul3A_136, %select_n3A_5 : i32
      %add3A_138 = arith.addi %mul3A_137, %add3A_135 : i32
      %dma_wait3A = arith.constant 0 : i32
      %dma_wait3A_139 = arith.constant 0 : i32
      %dma_wait3A_140 = arith.constant 0 : i32
      %dma_wait3A_141 = tpu.memref_slice %arg10[%dma_wait3A, %dma_wait3A_139, %dma_wait3A_140] : memref<2x128x64xf32, #tpu.memory_space<vmem>> -> memref<1x128x64xf32, #tpu.memory_space<vmem>>
      %dma_wait3A_142 = tpu.memref_squeeze %dma_wait3A_141 : memref<1x128x64xf32, #tpu.memory_space<vmem>> -> memref<128x64xf32, #tpu.memory_space<vmem>>
      %dma_wait3A_143 = arith.constant 0 : i32
      %dma_wait3A_144 = tpu.memref_slice %arg8[%add3A_138, %dma_wait3A_143] : memref<80x128xi32, #tpu.memory_space<vmem>> -> memref<1x128xi32, #tpu.memory_space<vmem>>
      %dma_wait3A_145 = tpu.memref_squeeze %dma_wait3A_144 : memref<1x128xi32, #tpu.memory_space<vmem>> -> memref<128xi32, #tpu.memory_space<vmem>>
      %dma_wait3A_146 = arith.constant 0 : i32
      %dma_wait3A_147 = arith.constant 0 : i32
      %dma_wait3A_148 = tpu.memref_slice %arg6[%dma_wait3A_146, %dma_wait3A_147] : memref<10112x64xf32, #tpu.memory_space<vmem_shared>> -> memref<10112x64xf32, #tpu.memory_space<vmem_shared>>
      tpu.wait_indirect_dma semaphore(%arg11 : memref<!tpu.dma_semaphore, #tpu.memory_space<semaphore_mem>>) src(%dma_wait3A_148 : memref<10112x64xf32, #tpu.memory_space<vmem_shared>>) dst(%dma_wait3A_142 : memref<128x64xf32, #tpu.memory_space<vmem>>)
      %mul3A_149 = arith.constant 0 : i32
      %mul3A_150 = arith.muli %mul3A_149, %select_n3A_5 : i32
      %add3A_151 = arith.addi %mul3A_150, %add3A_135 : i32
      %dma_start3A_152 = arith.constant 0 : i32
      %dma_start3A_153 = arith.constant 0 : i32
      %dma_start3A_154 = arith.constant 0 : i32
      %dma_start3A_155 = tpu.memref_slice %arg10[%dma_start3A_152, %dma_start3A_153, %dma_start3A_154] : memref<2x128x64xf32, #tpu.memory_space<vmem>> -> memref<1x128x64xf32, #tpu.memory_space<vmem>>
      %dma_start3A_156 = tpu.memref_squeeze %dma_start3A_155 : memref<1x128x64xf32, #tpu.memory_space<vmem>> -> memref<128x64xf32, #tpu.memory_space<vmem>>
      %dma_start3A_157 = arith.constant 0 : i32
      %dma_start3A_158 = tpu.memref_slice %arg9[%add3A_151, %dma_start3A_157] : memref<80x128xi32, #tpu.memory_space<vmem>> -> memref<1x128xi32, #tpu.memory_space<vmem>>
      %dma_start3A_159 = tpu.memref_squeeze %dma_start3A_158 : memref<1x128xi32, #tpu.memory_space<vmem>> -> memref<128xi32, #tpu.memory_space<vmem>>
      %dma_start3A_160 = arith.constant 0 : i32
      %dma_start3A_161 = arith.constant 0 : i32
      %dma_start3A_162 = tpu.memref_slice %arg7[%dma_start3A_160, %dma_start3A_161] : memref<10112x64xf32, #tpu.memory_space<vmem_shared>> -> memref<10112x64xf32, #tpu.memory_space<vmem_shared>>
      tpu.enqueue_indirect_dma source(%dma_start3A_156 : memref<128x64xf32, #tpu.memory_space<vmem>>) target(%dma_start3A_162 : memref<10112x64xf32, #tpu.memory_space<vmem_shared>>) offsets(%dma_start3A_159 : memref<128xi32, #tpu.memory_space<vmem>>) semaphore(%arg13 : memref<!tpu.dma_semaphore, #tpu.memory_space<semaphore_mem>>) {add = true}
      %mul3A_163 = arith.constant 1 : i32
      %mul3A_164 = arith.muli %mul3A_163, %select_n3A_5 : i32
      %add3A_165 = arith.addi %mul3A_164, %add3A_135 : i32
      %dma_wait3A_166 = arith.constant 1 : i32
      %dma_wait3A_167 = arith.constant 0 : i32
      %dma_wait3A_168 = arith.constant 0 : i32
      %dma_wait3A_169 = tpu.memref_slice %arg10[%dma_wait3A_166, %dma_wait3A_167, %dma_wait3A_168] : memref<2x128x64xf32, #tpu.memory_space<vmem>> -> memref<1x128x64xf32, #tpu.memory_space<vmem>>
      %dma_wait3A_170 = tpu.memref_squeeze %dma_wait3A_169 : memref<1x128x64xf32, #tpu.memory_space<vmem>> -> memref<128x64xf32, #tpu.memory_space<vmem>>
      %dma_wait3A_171 = arith.constant 0 : i32
      %dma_wait3A_172 = tpu.memref_slice %arg8[%add3A_165, %dma_wait3A_171] : memref<80x128xi32, #tpu.memory_space<vmem>> -> memref<1x128xi32, #tpu.memory_space<vmem>>
      %dma_wait3A_173 = tpu.memref_squeeze %dma_wait3A_172 : memref<1x128xi32, #tpu.memory_space<vmem>> -> memref<128xi32, #tpu.memory_space<vmem>>
      %dma_wait3A_174 = arith.constant 0 : i32
      %dma_wait3A_175 = arith.constant 0 : i32
      %dma_wait3A_176 = tpu.memref_slice %arg6[%dma_wait3A_174, %dma_wait3A_175] : memref<10112x64xf32, #tpu.memory_space<vmem_shared>> -> memref<10112x64xf32, #tpu.memory_space<vmem_shared>>
      tpu.wait_indirect_dma semaphore(%arg12 : memref<!tpu.dma_semaphore, #tpu.memory_space<semaphore_mem>>) src(%dma_wait3A_176 : memref<10112x64xf32, #tpu.memory_space<vmem_shared>>) dst(%dma_wait3A_170 : memref<128x64xf32, #tpu.memory_space<vmem>>)
      %mul3A_177 = arith.constant 1 : i32
      %mul3A_178 = arith.muli %mul3A_177, %select_n3A_5 : i32
      %add3A_179 = arith.addi %mul3A_178, %add3A_135 : i32
      %dma_start3A_180 = arith.constant 1 : i32
      %dma_start3A_181 = arith.constant 0 : i32
      %dma_start3A_182 = arith.constant 0 : i32
      %dma_start3A_183 = tpu.memref_slice %arg10[%dma_start3A_180, %dma_start3A_181, %dma_start3A_182] : memref<2x128x64xf32, #tpu.memory_space<vmem>> -> memref<1x128x64xf32, #tpu.memory_space<vmem>>
      %dma_start3A_184 = tpu.memref_squeeze %dma_start3A_183 : memref<1x128x64xf32, #tpu.memory_space<vmem>> -> memref<128x64xf32, #tpu.memory_space<vmem>>
      %dma_start3A_185 = arith.constant 0 : i32
      %dma_start3A_186 = tpu.memref_slice %arg9[%add3A_179, %dma_start3A_185] : memref<80x128xi32, #tpu.memory_space<vmem>> -> memref<1x128xi32, #tpu.memory_space<vmem>>
      %dma_start3A_187 = tpu.memref_squeeze %dma_start3A_186 : memref<1x128xi32, #tpu.memory_space<vmem>> -> memref<128xi32, #tpu.memory_space<vmem>>
      %dma_start3A_188 = arith.constant 0 : i32
      %dma_start3A_189 = arith.constant 0 : i32
      %dma_start3A_190 = tpu.memref_slice %arg7[%dma_start3A_188, %dma_start3A_189] : memref<10112x64xf32, #tpu.memory_space<vmem_shared>> -> memref<10112x64xf32, #tpu.memory_space<vmem_shared>>
      tpu.enqueue_indirect_dma source(%dma_start3A_184 : memref<128x64xf32, #tpu.memory_space<vmem>>) target(%dma_start3A_190 : memref<10112x64xf32, #tpu.memory_space<vmem_shared>>) offsets(%dma_start3A_187 : memref<128xi32, #tpu.memory_space<vmem>>) semaphore(%arg14 : memref<!tpu.dma_semaphore, #tpu.memory_space<semaphore_mem>>) {add = true}
      %mul3A_191 = arith.constant 0 : i32
      %mul3A_192 = arith.muli %mul3A_191, %select_n3A_5 : i32
      %add3A_193 = arith.addi %mul3A_192, %add3A_135 : i32
      %dma_wait3A_194 = arith.constant 0 : i32
      %dma_wait3A_195 = arith.constant 0 : i32
      %dma_wait3A_196 = arith.constant 0 : i32
      %dma_wait3A_197 = tpu.memref_slice %arg10[%dma_wait3A_194, %dma_wait3A_195, %dma_wait3A_196] : memref<2x128x64xf32, #tpu.memory_space<vmem>> -> memref<1x128x64xf32, #tpu.memory_space<vmem>>
      %dma_wait3A_198 = tpu.memref_squeeze %dma_wait3A_197 : memref<1x128x64xf32, #tpu.memory_space<vmem>> -> memref<128x64xf32, #tpu.memory_space<vmem>>
      %dma_wait3A_199 = arith.constant 0 : i32
      %dma_wait3A_200 = tpu.memref_slice %arg9[%add3A_193, %dma_wait3A_199] : memref<80x128xi32, #tpu.memory_space<vmem>> -> memref<1x128xi32, #tpu.memory_space<vmem>>
      %dma_wait3A_201 = tpu.memref_squeeze %dma_wait3A_200 : memref<1x128xi32, #tpu.memory_space<vmem>> -> memref<128xi32, #tpu.memory_space<vmem>>
      %dma_wait3A_202 = arith.constant 0 : i32
      %dma_wait3A_203 = arith.constant 0 : i32
      %dma_wait3A_204 = tpu.memref_slice %arg7[%dma_wait3A_202, %dma_wait3A_203] : memref<10112x64xf32, #tpu.memory_space<vmem_shared>> -> memref<10112x64xf32, #tpu.memory_space<vmem_shared>>
      tpu.wait_indirect_dma semaphore(%arg13 : memref<!tpu.dma_semaphore, #tpu.memory_space<semaphore_mem>>) src(%dma_wait3A_198 : memref<128x64xf32, #tpu.memory_space<vmem>>) dst(%dma_wait3A_204 : memref<10112x64xf32, #tpu.memory_space<vmem_shared>>)
      %sub3A_205 = arith.constant 1 : i32
      %sub3A_206 = arith.subi %select_n3A_5, %sub3A_205 : i32
      %lt3A_207 = arith.cmpi slt, %add3A_135, %sub3A_206 : i32
      %convert_element_type3A_208 = arith.extui %lt3A_207 : i1 to i32
      %cond3A_209 = arith.constant 0 : i32
      %cond3A_210 = arith.cmpi ne, %convert_element_type3A_208, %cond3A_209 : i32
      scf.if %cond3A_210 {
        %add3A_231 = arith.constant 1 : i32
        %add3A_232 = arith.addi %add3A_135, %add3A_231 : i32
        %mul3A_233 = arith.constant 0 : i32
        %mul3A_234 = arith.muli %mul3A_233, %select_n3A_5 : i32
        %add3A_235 = arith.addi %mul3A_234, %add3A_232 : i32
        %dma_start3A_236 = arith.constant 0 : i32
        %dma_start3A_237 = arith.constant 0 : i32
        %dma_start3A_238 = arith.constant 0 : i32
        %dma_start3A_239 = tpu.memref_slice %arg10[%dma_start3A_236, %dma_start3A_237, %dma_start3A_238] : memref<2x128x64xf32, #tpu.memory_space<vmem>> -> memref<1x128x64xf32, #tpu.memory_space<vmem>>
        %dma_start3A_240 = tpu.memref_squeeze %dma_start3A_239 : memref<1x128x64xf32, #tpu.memory_space<vmem>> -> memref<128x64xf32, #tpu.memory_space<vmem>>
        %dma_start3A_241 = arith.constant 0 : i32
        %dma_start3A_242 = tpu.memref_slice %arg8[%add3A_235, %dma_start3A_241] : memref<80x128xi32, #tpu.memory_space<vmem>> -> memref<1x128xi32, #tpu.memory_space<vmem>>
        %dma_start3A_243 = tpu.memref_squeeze %dma_start3A_242 : memref<1x128xi32, #tpu.memory_space<vmem>> -> memref<128xi32, #tpu.memory_space<vmem>>
        %dma_start3A_244 = arith.constant 0 : i32
        %dma_start3A_245 = arith.constant 0 : i32
        %dma_start3A_246 = tpu.memref_slice %arg6[%dma_start3A_244, %dma_start3A_245] : memref<10112x64xf32, #tpu.memory_space<vmem_shared>> -> memref<10112x64xf32, #tpu.memory_space<vmem_shared>>
        tpu.enqueue_indirect_dma source(%dma_start3A_246 : memref<10112x64xf32, #tpu.memory_space<vmem_shared>>) target(%dma_start3A_240 : memref<128x64xf32, #tpu.memory_space<vmem>>) offsets(%dma_start3A_243 : memref<128xi32, #tpu.memory_space<vmem>>) semaphore(%arg11 : memref<!tpu.dma_semaphore, #tpu.memory_space<semaphore_mem>>)
      } else {
      }
      %mul3A_211 = arith.constant 1 : i32
      %mul3A_212 = arith.muli %mul3A_211, %select_n3A_5 : i32
      %add3A_213 = arith.addi %mul3A_212, %add3A_135 : i32
      %dma_wait3A_214 = arith.constant 1 : i32
      %dma_wait3A_215 = arith.constant 0 : i32
      %dma_wait3A_216 = arith.constant 0 : i32
      %dma_wait3A_217 = tpu.memref_slice %arg10[%dma_wait3A_214, %dma_wait3A_215, %dma_wait3A_216] : memref<2x128x64xf32, #tpu.memory_space<vmem>> -> memref<1x128x64xf32, #tpu.memory_space<vmem>>
      %dma_wait3A_218 = tpu.memref_squeeze %dma_wait3A_217 : memref<1x128x64xf32, #tpu.memory_space<vmem>> -> memref<128x64xf32, #tpu.memory_space<vmem>>
      %dma_wait3A_219 = arith.constant 0 : i32
      %dma_wait3A_220 = tpu.memref_slice %arg9[%add3A_213, %dma_wait3A_219] : memref<80x128xi32, #tpu.memory_space<vmem>> -> memref<1x128xi32, #tpu.memory_space<vmem>>
      %dma_wait3A_221 = tpu.memref_squeeze %dma_wait3A_220 : memref<1x128xi32, #tpu.memory_space<vmem>> -> memref<128xi32, #tpu.memory_space<vmem>>
      %dma_wait3A_222 = arith.constant 0 : i32
      %dma_wait3A_223 = arith.constant 0 : i32
      %dma_wait3A_224 = tpu.memref_slice %arg7[%dma_wait3A_222, %dma_wait3A_223] : memref<10112x64xf32, #tpu.memory_space<vmem_shared>> -> memref<10112x64xf32, #tpu.memory_space<vmem_shared>>
      tpu.wait_indirect_dma semaphore(%arg14 : memref<!tpu.dma_semaphore, #tpu.memory_space<semaphore_mem>>) src(%dma_wait3A_218 : memref<128x64xf32, #tpu.memory_space<vmem>>) dst(%dma_wait3A_224 : memref<10112x64xf32, #tpu.memory_space<vmem_shared>>)
      %sub3A_225 = arith.constant 1 : i32
      %sub3A_226 = arith.subi %select_n3A_5, %sub3A_225 : i32
      %lt3A_227 = arith.cmpi slt, %add3A_135, %sub3A_226 : i32
      %convert_element_type3A_228 = arith.extui %lt3A_227 : i1 to i32
      %cond3A_229 = arith.constant 0 : i32
      %cond3A_230 = arith.cmpi ne, %convert_element_type3A_228, %cond3A_229 : i32
      scf.if %cond3A_230 {
        %add3A_231 = arith.constant 1 : i32
        %add3A_232 = arith.addi %add3A_135, %add3A_231 : i32
        %mul3A_233 = arith.constant 1 : i32
        %mul3A_234 = arith.muli %mul3A_233, %select_n3A_5 : i32
        %add3A_235 = arith.addi %mul3A_234, %add3A_232 : i32
        %dma_start3A_236 = arith.constant 1 : i32
        %dma_start3A_237 = arith.constant 0 : i32
        %dma_start3A_238 = arith.constant 0 : i32
        %dma_start3A_239 = tpu.memref_slice %arg10[%dma_start3A_236, %dma_start3A_237, %dma_start3A_238] : memref<2x128x64xf32, #tpu.memory_space<vmem>> -> memref<1x128x64xf32, #tpu.memory_space<vmem>>
        %dma_start3A_240 = tpu.memref_squeeze %dma_start3A_239 : memref<1x128x64xf32, #tpu.memory_space<vmem>> -> memref<128x64xf32, #tpu.memory_space<vmem>>
        %dma_start3A_241 = arith.constant 0 : i32
        %dma_start3A_242 = tpu.memref_slice %arg8[%add3A_235, %dma_start3A_241] : memref<80x128xi32, #tpu.memory_space<vmem>> -> memref<1x128xi32, #tpu.memory_space<vmem>>
        %dma_start3A_243 = tpu.memref_squeeze %dma_start3A_242 : memref<1x128xi32, #tpu.memory_space<vmem>> -> memref<128xi32, #tpu.memory_space<vmem>>
        %dma_start3A_244 = arith.constant 0 : i32
        %dma_start3A_245 = arith.constant 0 : i32
        %dma_start3A_246 = tpu.memref_slice %arg6[%dma_start3A_244, %dma_start3A_245] : memref<10112x64xf32, #tpu.memory_space<vmem_shared>> -> memref<10112x64xf32, #tpu.memory_space<vmem_shared>>
        tpu.enqueue_indirect_dma source(%dma_start3A_246 : memref<10112x64xf32, #tpu.memory_space<vmem_shared>>) target(%dma_start3A_240 : memref<128x64xf32, #tpu.memory_space<vmem>>) offsets(%dma_start3A_243 : memref<128xi32, #tpu.memory_space<vmem>>) semaphore(%arg12 : memref<!tpu.dma_semaphore, #tpu.memory_space<semaphore_mem>>)
      } else {
      }
    }
    %barrier3A_68 = arith.constant 0 : index
    tpu.barrier barrier_id(%barrier3A_68)
    %run_scoped3A = arith.constant 0 : i32
    "tpu.region"() ({
      %run_scoped3A_133 = tpu.sem_alloc : memref<!tpu.dma_semaphore, #tpu.memory_space<semaphore_mem>>
      %dma_start3A_134 = arith.constant 0 : i32
      %dma_start3A_135 = tpu.memref_slice %arg5[%arg0, %run_scoped3A, %mul3A_0, %dma_start3A_134] : memref<2x2x10112x64xf32, #tpu.memory_space<hbm>> -> memref<1x1x632x64xf32, #tpu.memory_space<hbm>>
      %dma_start3A_136 = tpu.memref_squeeze %dma_start3A_135 : memref<1x1x632x64xf32, #tpu.memory_space<hbm>> -> memref<632x64xf32, #tpu.memory_space<hbm>>
      %dma_start3A_137 = arith.constant 0 : i32
      %dma_start3A_138 = tpu.memref_slice %arg7[%mul3A_0, %dma_start3A_137] : memref<10112x64xf32, #tpu.memory_space<vmem_shared>> -> memref<632x64xf32, #tpu.memory_space<vmem_shared>>
      tpu.enqueue_dma source(%dma_start3A_138 : memref<632x64xf32, #tpu.memory_space<vmem_shared>>) target(%dma_start3A_136 : memref<632x64xf32, #tpu.memory_space<hbm>>) target_semaphore(%run_scoped3A_133 : memref<!tpu.dma_semaphore, #tpu.memory_space<semaphore_mem>>)
      %dma_wait3A = arith.constant 0 : i32
      %dma_wait3A_139 = tpu.memref_slice %arg5[%arg0, %run_scoped3A, %mul3A_0, %dma_wait3A] : memref<2x2x10112x64xf32, #tpu.memory_space<hbm>> -> memref<1x1x632x64xf32, #tpu.memory_space<hbm>>
      %dma_wait3A_140 = tpu.memref_squeeze %dma_wait3A_139 : memref<1x1x632x64xf32, #tpu.memory_space<hbm>> -> memref<632x64xf32, #tpu.memory_space<hbm>>
      %dma_wait3A_141 = arith.constant 0 : i32
      %dma_wait3A_142 = tpu.memref_slice %arg7[%mul3A_0, %dma_wait3A_141] : memref<10112x64xf32, #tpu.memory_space<vmem_shared>> -> memref<632x64xf32, #tpu.memory_space<vmem_shared>>
      tpu.wait_dma2 semaphore(%run_scoped3A_133 : memref<!tpu.dma_semaphore, #tpu.memory_space<semaphore_mem>>) src(%dma_wait3A_142 : memref<632x64xf32, #tpu.memory_space<vmem_shared>>) dst(%dma_wait3A_140 : memref<632x64xf32, #tpu.memory_space<hbm>>)
      tpu.yield
    }) : () -> ()
    %barrier3A_69 = arith.constant 0 : index
    tpu.barrier barrier_id(%barrier3A_69)
    %lt3A_70 = arith.constant 15 : i32
    %lt3A_71 = arith.cmpi slt, %arg1, %lt3A_70 : i32
    %convert_element_type3A_72 = arith.extui %lt3A_71 : i1 to i32
    %cond3A_73 = arith.constant 0 : i32
    %cond3A_74 = arith.cmpi ne, %convert_element_type3A_72, %cond3A_73 : i32
    scf.if %cond3A_74 {
      %mul3A_133 = arith.constant 632 : i32
      %mul3A_134 = arith.muli %arg1, %mul3A_133 : i32
      "tpu.region"() ({
        %run_scoped3A_135 = tpu.sem_alloc : memref<!tpu.dma_semaphore, #tpu.memory_space<semaphore_mem>>
        %dma_start3A_136 = arith.constant 0 : i32
        %dma_start3A_137 = tpu.memref_slice %arg6[%mul3A_0, %dma_start3A_136] : memref<10112x64xf32, #tpu.memory_space<vmem_shared>> -> memref<632x64xf32, #tpu.memory_space<vmem_shared>>
        %dma_start3A_138 = arith.constant 64 : i32
        %dma_start3A_139 = tpu.memref_slice %arg2[%mul3A_134, %dma_start3A_138] : memref<10000x128xf32, #tpu.memory_space<hbm>> -> memref<632x64xf32, #tpu.memory_space<hbm>>
        tpu.enqueue_dma source(%dma_start3A_139 : memref<632x64xf32, #tpu.memory_space<hbm>>) target(%dma_start3A_137 : memref<632x64xf32, #tpu.memory_space<vmem_shared>>) target_semaphore(%run_scoped3A_135 : memref<!tpu.dma_semaphore, #tpu.memory_space<semaphore_mem>>)
        %dma_wait3A = arith.constant 0 : i32
        %dma_wait3A_140 = tpu.memref_slice %arg6[%mul3A_0, %dma_wait3A] : memref<10112x64xf32, #tpu.memory_space<vmem_shared>> -> memref<632x64xf32, #tpu.memory_space<vmem_shared>>
        %dma_wait3A_141 = arith.constant 64 : i32
        %dma_wait3A_142 = tpu.memref_slice %arg2[%mul3A_134, %dma_wait3A_141] : memref<10000x128xf32, #tpu.memory_space<hbm>> -> memref<632x64xf32, #tpu.memory_space<hbm>>
        tpu.wait_dma2 semaphore(%run_scoped3A_135 : memref<!tpu.dma_semaphore, #tpu.memory_space<semaphore_mem>>) src(%dma_wait3A_142 : memref<632x64xf32, #tpu.memory_space<hbm>>) dst(%dma_wait3A_140 : memref<632x64xf32, #tpu.memory_space<vmem_shared>>)
        tpu.yield
      }) : () -> ()
    } else {
    }
    %eq3A_75 = arith.constant 15 : i32
    %eq3A_76 = arith.cmpi eq, %arg1, %eq3A_75 : i32
    %convert_element_type3A_77 = arith.extui %eq3A_76 : i1 to i32
    %cond3A_78 = arith.constant 0 : i32
    %cond3A_79 = arith.cmpi ne, %convert_element_type3A_77, %cond3A_78 : i32
    scf.if %cond3A_79 {
      "tpu.region"() ({
        %run_scoped3A_133 = tpu.sem_alloc : memref<!tpu.dma_semaphore, #tpu.memory_space<semaphore_mem>>
        %dma_start3A_134 = arith.constant 9480 : i32
        %dma_start3A_135 = arith.constant 0 : i32
        %dma_start3A_136 = tpu.memref_slice %arg6[%dma_start3A_134, %dma_start3A_135] : memref<10112x64xf32, #tpu.memory_space<vmem_shared>> -> memref<520x64xf32, #tpu.memory_space<vmem_shared>>
        %dma_start3A_137 = arith.constant 9480 : i32
        %dma_start3A_138 = arith.constant 64 : i32
        %dma_start3A_139 = tpu.memref_slice %arg2[%dma_start3A_137, %dma_start3A_138] : memref<10000x128xf32, #tpu.memory_space<hbm>> -> memref<520x64xf32, #tpu.memory_space<hbm>>
        tpu.enqueue_dma source(%dma_start3A_139 : memref<520x64xf32, #tpu.memory_space<hbm>>) target(%dma_start3A_136 : memref<520x64xf32, #tpu.memory_space<vmem_shared>>) target_semaphore(%run_scoped3A_133 : memref<!tpu.dma_semaphore, #tpu.memory_space<semaphore_mem>>)
        %dma_wait3A = arith.constant 9480 : i32
        %dma_wait3A_140 = arith.constant 0 : i32
        %dma_wait3A_141 = tpu.memref_slice %arg6[%dma_wait3A, %dma_wait3A_140] : memref<10112x64xf32, #tpu.memory_space<vmem_shared>> -> memref<520x64xf32, #tpu.memory_space<vmem_shared>>
        %dma_wait3A_142 = arith.constant 9480 : i32
        %dma_wait3A_143 = arith.constant 64 : i32
        %dma_wait3A_144 = tpu.memref_slice %arg2[%dma_wait3A_142, %dma_wait3A_143] : memref<10000x128xf32, #tpu.memory_space<hbm>> -> memref<520x64xf32, #tpu.memory_space<hbm>>
        tpu.wait_dma2 semaphore(%run_scoped3A_133 : memref<!tpu.dma_semaphore, #tpu.memory_space<semaphore_mem>>) src(%dma_wait3A_144 : memref<520x64xf32, #tpu.memory_space<hbm>>) dst(%dma_wait3A_141 : memref<520x64xf32, #tpu.memory_space<vmem_shared>>)
        tpu.yield
      }) : () -> ()
    } else {
    }
    "tpu.region"() ({
      %run_scoped3A_133 = tpu.sem_alloc : memref<!tpu.dma_semaphore, #tpu.memory_space<semaphore_mem>>
      %dma_start3A_134 = arith.constant 0 : i32
      %dma_start3A_135 = tpu.memref_slice %arg7[%mul3A_0, %dma_start3A_134] : memref<10112x64xf32, #tpu.memory_space<vmem_shared>> -> memref<632x64xf32, #tpu.memory_space<vmem_shared>>
      %dma_start3A_136 = arith.constant 0 : i32
      %dma_start3A_137 = tpu.memref_slice %arg4[%mul3A_0, %dma_start3A_136] : memref<10112x64xf32, #tpu.memory_space<hbm>> -> memref<632x64xf32, #tpu.memory_space<hbm>>
      tpu.enqueue_dma source(%dma_start3A_137 : memref<632x64xf32, #tpu.memory_space<hbm>>) target(%dma_start3A_135 : memref<632x64xf32, #tpu.memory_space<vmem_shared>>) target_semaphore(%run_scoped3A_133 : memref<!tpu.dma_semaphore, #tpu.memory_space<semaphore_mem>>)
      %dma_wait3A = arith.constant 0 : i32
      %dma_wait3A_138 = tpu.memref_slice %arg7[%mul3A_0, %dma_wait3A] : memref<10112x64xf32, #tpu.memory_space<vmem_shared>> -> memref<632x64xf32, #tpu.memory_space<vmem_shared>>
      %dma_wait3A_139 = arith.constant 0 : i32
      %dma_wait3A_140 = tpu.memref_slice %arg4[%mul3A_0, %dma_wait3A_139] : memref<10112x64xf32, #tpu.memory_space<hbm>> -> memref<632x64xf32, #tpu.memory_space<hbm>>
      tpu.wait_dma2 semaphore(%run_scoped3A_133 : memref<!tpu.dma_semaphore, #tpu.memory_space<semaphore_mem>>) src(%dma_wait3A_140 : memref<632x64xf32, #tpu.memory_space<hbm>>) dst(%dma_wait3A_138 : memref<632x64xf32, #tpu.memory_space<vmem_shared>>)
      tpu.yield
    }) : () -> ()
    %barrier3A_80 = arith.constant 0 : index
    tpu.barrier barrier_id(%barrier3A_80)
    %mul3A_81 = arith.constant 0 : i32
    %mul3A_82 = arith.muli %mul3A_81, %select_n3A_5 : i32
    %add3A_83 = arith.constant 0 : i32
    %add3A_84 = arith.addi %mul3A_82, %add3A_83 : i32
    %dma_start3A_85 = arith.constant 0 : i32
    %dma_start3A_86 = arith.constant 0 : i32
    %dma_start3A_87 = arith.constant 0 : i32
    %dma_start3A_88 = tpu.memref_slice %arg10[%dma_start3A_85, %dma_start3A_86, %dma_start3A_87] : memref<2x128x64xf32, #tpu.memory_space<vmem>> -> memref<1x128x64xf32, #tpu.memory_space<vmem>>
    %dma_start3A_89 = tpu.memref_squeeze %dma_start3A_88 : memref<1x128x64xf32, #tpu.memory_space<vmem>> -> memref<128x64xf32, #tpu.memory_space<vmem>>
    %dma_start3A_90 = arith.constant 0 : i32
    %dma_start3A_91 = tpu.memref_slice %arg8[%add3A_84, %dma_start3A_90] : memref<80x128xi32, #tpu.memory_space<vmem>> -> memref<1x128xi32, #tpu.memory_space<vmem>>
    %dma_start3A_92 = tpu.memref_squeeze %dma_start3A_91 : memref<1x128xi32, #tpu.memory_space<vmem>> -> memref<128xi32, #tpu.memory_space<vmem>>
    %dma_start3A_93 = arith.constant 0 : i32
    %dma_start3A_94 = arith.constant 0 : i32
    %dma_start3A_95 = tpu.memref_slice %arg6[%dma_start3A_93, %dma_start3A_94] : memref<10112x64xf32, #tpu.memory_space<vmem_shared>> -> memref<10112x64xf32, #tpu.memory_space<vmem_shared>>
    tpu.enqueue_indirect_dma source(%dma_start3A_95 : memref<10112x64xf32, #tpu.memory_space<vmem_shared>>) target(%dma_start3A_89 : memref<128x64xf32, #tpu.memory_space<vmem>>) offsets(%dma_start3A_92 : memref<128xi32, #tpu.memory_space<vmem>>) semaphore(%arg11 : memref<!tpu.dma_semaphore, #tpu.memory_space<semaphore_mem>>)
    %mul3A_96 = arith.constant 1 : i32
    %mul3A_97 = arith.muli %mul3A_96, %select_n3A_5 : i32
    %add3A_98 = arith.constant 0 : i32
    %add3A_99 = arith.addi %mul3A_97, %add3A_98 : i32
    %dma_start3A_100 = arith.constant 1 : i32
    %dma_start3A_101 = arith.constant 0 : i32
    %dma_start3A_102 = arith.constant 0 : i32
    %dma_start3A_103 = tpu.memref_slice %arg10[%dma_start3A_100, %dma_start3A_101, %dma_start3A_102] : memref<2x128x64xf32, #tpu.memory_space<vmem>> -> memref<1x128x64xf32, #tpu.memory_space<vmem>>
    %dma_start3A_104 = tpu.memref_squeeze %dma_start3A_103 : memref<1x128x64xf32, #tpu.memory_space<vmem>> -> memref<128x64xf32, #tpu.memory_space<vmem>>
    %dma_start3A_105 = arith.constant 0 : i32
    %dma_start3A_106 = tpu.memref_slice %arg8[%add3A_99, %dma_start3A_105] : memref<80x128xi32, #tpu.memory_space<vmem>> -> memref<1x128xi32, #tpu.memory_space<vmem>>
    %dma_start3A_107 = tpu.memref_squeeze %dma_start3A_106 : memref<1x128xi32, #tpu.memory_space<vmem>> -> memref<128xi32, #tpu.memory_space<vmem>>
    %dma_start3A_108 = arith.constant 0 : i32
    %dma_start3A_109 = arith.constant 0 : i32
    %dma_start3A_110 = tpu.memref_slice %arg6[%dma_start3A_108, %dma_start3A_109] : memref<10112x64xf32, #tpu.memory_space<vmem_shared>> -> memref<10112x64xf32, #tpu.memory_space<vmem_shared>>
    tpu.enqueue_indirect_dma source(%dma_start3A_110 : memref<10112x64xf32, #tpu.memory_space<vmem_shared>>) target(%dma_start3A_104 : memref<128x64xf32, #tpu.memory_space<vmem>>) offsets(%dma_start3A_107 : memref<128xi32, #tpu.memory_space<vmem>>) semaphore(%arg12 : memref<!tpu.dma_semaphore, #tpu.memory_space<semaphore_mem>>)
    %sub3A_111 = arith.constant 0 : i32
    %sub3A_112 = arith.subi %select_n3A_5, %sub3A_111 : i32
    %sub3A_113 = arith.constant 1 : i32
    %sub3A_114 = arith.constant 1 : i32
    %sub3A_115 = arith.subi %sub3A_113, %sub3A_114 : i32
    %add3A_116 = arith.addi %sub3A_112, %sub3A_115 : i32
    %div3A_117 = arith.constant 1 : i32
    %div3A_118 = arith.divsi %add3A_116, %div3A_117 : i32
    %while3A_119 = arith.constant 1 : i32
    %while3A_120 = arith.constant 0 : i32
    %while3A_121 = arith.constant 0 : i32
    %while3A_122 = arith.subi %div3A_118, %while3A_121 : i32
    %while3A_123 = arith.addi %while3A_121, %while3A_122 : i32
    %while3A_124 = arith.constant 1 : i32
    %while3A_125 = arith.divsi %while3A_122, %while3A_124 : i32
    %while3A_126 = arith.muli %while3A_125, %while3A_124 : i32
    %while3A_127 = arith.addi %while3A_121, %while3A_126 : i32
    %while3A_128 = arith.constant 1 : i32
    scf.for %while3A_133 = %while3A_121 to %while3A_127 step %while3A_128  : i32 {
      %mul3A_134 = arith.muli %while3A_133, %while3A_119 : i32
      %add3A_135 = arith.addi %while3A_120, %mul3A_134 : i32
      %mul3A_136 = arith.constant 0 : i32
      %mul3A_137 = arith.muli %mul3A_136, %select_n3A_5 : i32
      %add3A_138 = arith.addi %mul3A_137, %add3A_135 : i32
      %dma_wait3A = arith.constant 0 : i32
      %dma_wait3A_139 = arith.constant 0 : i32
      %dma_wait3A_140 = arith.constant 0 : i32
      %dma_wait3A_141 = tpu.memref_slice %arg10[%dma_wait3A, %dma_wait3A_139, %dma_wait3A_140] : memref<2x128x64xf32, #tpu.memory_space<vmem>> -> memref<1x128x64xf32, #tpu.memory_space<vmem>>
      %dma_wait3A_142 = tpu.memref_squeeze %dma_wait3A_141 : memref<1x128x64xf32, #tpu.memory_space<vmem>> -> memref<128x64xf32, #tpu.memory_space<vmem>>
      %dma_wait3A_143 = arith.constant 0 : i32
      %dma_wait3A_144 = tpu.memref_slice %arg8[%add3A_138, %dma_wait3A_143] : memref<80x128xi32, #tpu.memory_space<vmem>> -> memref<1x128xi32, #tpu.memory_space<vmem>>
      %dma_wait3A_145 = tpu.memref_squeeze %dma_wait3A_144 : memref<1x128xi32, #tpu.memory_space<vmem>> -> memref<128xi32, #tpu.memory_space<vmem>>
      %dma_wait3A_146 = arith.constant 0 : i32
      %dma_wait3A_147 = arith.constant 0 : i32
      %dma_wait3A_148 = tpu.memref_slice %arg6[%dma_wait3A_146, %dma_wait3A_147] : memref<10112x64xf32, #tpu.memory_space<vmem_shared>> -> memref<10112x64xf32, #tpu.memory_space<vmem_shared>>
      tpu.wait_indirect_dma semaphore(%arg11 : memref<!tpu.dma_semaphore, #tpu.memory_space<semaphore_mem>>) src(%dma_wait3A_148 : memref<10112x64xf32, #tpu.memory_space<vmem_shared>>) dst(%dma_wait3A_142 : memref<128x64xf32, #tpu.memory_space<vmem>>)
      %mul3A_149 = arith.constant 0 : i32
      %mul3A_150 = arith.muli %mul3A_149, %select_n3A_5 : i32
      %add3A_151 = arith.addi %mul3A_150, %add3A_135 : i32
      %dma_start3A_152 = arith.constant 0 : i32
      %dma_start3A_153 = arith.constant 0 : i32
      %dma_start3A_154 = arith.constant 0 : i32
      %dma_start3A_155 = tpu.memref_slice %arg10[%dma_start3A_152, %dma_start3A_153, %dma_start3A_154] : memref<2x128x64xf32, #tpu.memory_space<vmem>> -> memref<1x128x64xf32, #tpu.memory_space<vmem>>
      %dma_start3A_156 = tpu.memref_squeeze %dma_start3A_155 : memref<1x128x64xf32, #tpu.memory_space<vmem>> -> memref<128x64xf32, #tpu.memory_space<vmem>>
      %dma_start3A_157 = arith.constant 0 : i32
      %dma_start3A_158 = tpu.memref_slice %arg9[%add3A_151, %dma_start3A_157] : memref<80x128xi32, #tpu.memory_space<vmem>> -> memref<1x128xi32, #tpu.memory_space<vmem>>
      %dma_start3A_159 = tpu.memref_squeeze %dma_start3A_158 : memref<1x128xi32, #tpu.memory_space<vmem>> -> memref<128xi32, #tpu.memory_space<vmem>>
      %dma_start3A_160 = arith.constant 0 : i32
      %dma_start3A_161 = arith.constant 0 : i32
      %dma_start3A_162 = tpu.memref_slice %arg7[%dma_start3A_160, %dma_start3A_161] : memref<10112x64xf32, #tpu.memory_space<vmem_shared>> -> memref<10112x64xf32, #tpu.memory_space<vmem_shared>>
      tpu.enqueue_indirect_dma source(%dma_start3A_156 : memref<128x64xf32, #tpu.memory_space<vmem>>) target(%dma_start3A_162 : memref<10112x64xf32, #tpu.memory_space<vmem_shared>>) offsets(%dma_start3A_159 : memref<128xi32, #tpu.memory_space<vmem>>) semaphore(%arg13 : memref<!tpu.dma_semaphore, #tpu.memory_space<semaphore_mem>>) {add = true}
      %mul3A_163 = arith.constant 1 : i32
      %mul3A_164 = arith.muli %mul3A_163, %select_n3A_5 : i32
      %add3A_165 = arith.addi %mul3A_164, %add3A_135 : i32
      %dma_wait3A_166 = arith.constant 1 : i32
      %dma_wait3A_167 = arith.constant 0 : i32
      %dma_wait3A_168 = arith.constant 0 : i32
      %dma_wait3A_169 = tpu.memref_slice %arg10[%dma_wait3A_166, %dma_wait3A_167, %dma_wait3A_168] : memref<2x128x64xf32, #tpu.memory_space<vmem>> -> memref<1x128x64xf32, #tpu.memory_space<vmem>>
      %dma_wait3A_170 = tpu.memref_squeeze %dma_wait3A_169 : memref<1x128x64xf32, #tpu.memory_space<vmem>> -> memref<128x64xf32, #tpu.memory_space<vmem>>
      %dma_wait3A_171 = arith.constant 0 : i32
      %dma_wait3A_172 = tpu.memref_slice %arg8[%add3A_165, %dma_wait3A_171] : memref<80x128xi32, #tpu.memory_space<vmem>> -> memref<1x128xi32, #tpu.memory_space<vmem>>
      %dma_wait3A_173 = tpu.memref_squeeze %dma_wait3A_172 : memref<1x128xi32, #tpu.memory_space<vmem>> -> memref<128xi32, #tpu.memory_space<vmem>>
      %dma_wait3A_174 = arith.constant 0 : i32
      %dma_wait3A_175 = arith.constant 0 : i32
      %dma_wait3A_176 = tpu.memref_slice %arg6[%dma_wait3A_174, %dma_wait3A_175] : memref<10112x64xf32, #tpu.memory_space<vmem_shared>> -> memref<10112x64xf32, #tpu.memory_space<vmem_shared>>
      tpu.wait_indirect_dma semaphore(%arg12 : memref<!tpu.dma_semaphore, #tpu.memory_space<semaphore_mem>>) src(%dma_wait3A_176 : memref<10112x64xf32, #tpu.memory_space<vmem_shared>>) dst(%dma_wait3A_170 : memref<128x64xf32, #tpu.memory_space<vmem>>)
      %mul3A_177 = arith.constant 1 : i32
      %mul3A_178 = arith.muli %mul3A_177, %select_n3A_5 : i32
      %add3A_179 = arith.addi %mul3A_178, %add3A_135 : i32
      %dma_start3A_180 = arith.constant 1 : i32
      %dma_start3A_181 = arith.constant 0 : i32
      %dma_start3A_182 = arith.constant 0 : i32
      %dma_start3A_183 = tpu.memref_slice %arg10[%dma_start3A_180, %dma_start3A_181, %dma_start3A_182] : memref<2x128x64xf32, #tpu.memory_space<vmem>> -> memref<1x128x64xf32, #tpu.memory_space<vmem>>
      %dma_start3A_184 = tpu.memref_squeeze %dma_start3A_183 : memref<1x128x64xf32, #tpu.memory_space<vmem>> -> memref<128x64xf32, #tpu.memory_space<vmem>>
      %dma_start3A_185 = arith.constant 0 : i32
      %dma_start3A_186 = tpu.memref_slice %arg9[%add3A_179, %dma_start3A_185] : memref<80x128xi32, #tpu.memory_space<vmem>> -> memref<1x128xi32, #tpu.memory_space<vmem>>
      %dma_start3A_187 = tpu.memref_squeeze %dma_start3A_186 : memref<1x128xi32, #tpu.memory_space<vmem>> -> memref<128xi32, #tpu.memory_space<vmem>>
      %dma_start3A_188 = arith.constant 0 : i32
      %dma_start3A_189 = arith.constant 0 : i32
      %dma_start3A_190 = tpu.memref_slice %arg7[%dma_start3A_188, %dma_start3A_189] : memref<10112x64xf32, #tpu.memory_space<vmem_shared>> -> memref<10112x64xf32, #tpu.memory_space<vmem_shared>>
      tpu.enqueue_indirect_dma source(%dma_start3A_184 : memref<128x64xf32, #tpu.memory_space<vmem>>) target(%dma_start3A_190 : memref<10112x64xf32, #tpu.memory_space<vmem_shared>>) offsets(%dma_start3A_187 : memref<128xi32, #tpu.memory_space<vmem>>) semaphore(%arg14 : memref<!tpu.dma_semaphore, #tpu.memory_space<semaphore_mem>>) {add = true}
      %mul3A_191 = arith.constant 0 : i32
      %mul3A_192 = arith.muli %mul3A_191, %select_n3A_5 : i32
      %add3A_193 = arith.addi %mul3A_192, %add3A_135 : i32
      %dma_wait3A_194 = arith.constant 0 : i32
      %dma_wait3A_195 = arith.constant 0 : i32
      %dma_wait3A_196 = arith.constant 0 : i32
      %dma_wait3A_197 = tpu.memref_slice %arg10[%dma_wait3A_194, %dma_wait3A_195, %dma_wait3A_196] : memref<2x128x64xf32, #tpu.memory_space<vmem>> -> memref<1x128x64xf32, #tpu.memory_space<vmem>>
      %dma_wait3A_198 = tpu.memref_squeeze %dma_wait3A_197 : memref<1x128x64xf32, #tpu.memory_space<vmem>> -> memref<128x64xf32, #tpu.memory_space<vmem>>
      %dma_wait3A_199 = arith.constant 0 : i32
      %dma_wait3A_200 = tpu.memref_slice %arg9[%add3A_193, %dma_wait3A_199] : memref<80x128xi32, #tpu.memory_space<vmem>> -> memref<1x128xi32, #tpu.memory_space<vmem>>
      %dma_wait3A_201 = tpu.memref_squeeze %dma_wait3A_200 : memref<1x128xi32, #tpu.memory_space<vmem>> -> memref<128xi32, #tpu.memory_space<vmem>>
      %dma_wait3A_202 = arith.constant 0 : i32
      %dma_wait3A_203 = arith.constant 0 : i32
      %dma_wait3A_204 = tpu.memref_slice %arg7[%dma_wait3A_202, %dma_wait3A_203] : memref<10112x64xf32, #tpu.memory_space<vmem_shared>> -> memref<10112x64xf32, #tpu.memory_space<vmem_shared>>
      tpu.wait_indirect_dma semaphore(%arg13 : memref<!tpu.dma_semaphore, #tpu.memory_space<semaphore_mem>>) src(%dma_wait3A_198 : memref<128x64xf32, #tpu.memory_space<vmem>>) dst(%dma_wait3A_204 : memref<10112x64xf32, #tpu.memory_space<vmem_shared>>)
      %sub3A_205 = arith.constant 1 : i32
      %sub3A_206 = arith.subi %select_n3A_5, %sub3A_205 : i32
      %lt3A_207 = arith.cmpi slt, %add3A_135, %sub3A_206 : i32
      %convert_element_type3A_208 = arith.extui %lt3A_207 : i1 to i32
      %cond3A_209 = arith.constant 0 : i32
      %cond3A_210 = arith.cmpi ne, %convert_element_type3A_208, %cond3A_209 : i32
      scf.if %cond3A_210 {
        %add3A_231 = arith.constant 1 : i32
        %add3A_232 = arith.addi %add3A_135, %add3A_231 : i32
        %mul3A_233 = arith.constant 0 : i32
        %mul3A_234 = arith.muli %mul3A_233, %select_n3A_5 : i32
        %add3A_235 = arith.addi %mul3A_234, %add3A_232 : i32
        %dma_start3A_236 = arith.constant 0 : i32
        %dma_start3A_237 = arith.constant 0 : i32
        %dma_start3A_238 = arith.constant 0 : i32
        %dma_start3A_239 = tpu.memref_slice %arg10[%dma_start3A_236, %dma_start3A_237, %dma_start3A_238] : memref<2x128x64xf32, #tpu.memory_space<vmem>> -> memref<1x128x64xf32, #tpu.memory_space<vmem>>
        %dma_start3A_240 = tpu.memref_squeeze %dma_start3A_239 : memref<1x128x64xf32, #tpu.memory_space<vmem>> -> memref<128x64xf32, #tpu.memory_space<vmem>>
        %dma_start3A_241 = arith.constant 0 : i32
        %dma_start3A_242 = tpu.memref_slice %arg8[%add3A_235, %dma_start3A_241] : memref<80x128xi32, #tpu.memory_space<vmem>> -> memref<1x128xi32, #tpu.memory_space<vmem>>
        %dma_start3A_243 = tpu.memref_squeeze %dma_start3A_242 : memref<1x128xi32, #tpu.memory_space<vmem>> -> memref<128xi32, #tpu.memory_space<vmem>>
        %dma_start3A_244 = arith.constant 0 : i32
        %dma_start3A_245 = arith.constant 0 : i32
        %dma_start3A_246 = tpu.memref_slice %arg6[%dma_start3A_244, %dma_start3A_245] : memref<10112x64xf32, #tpu.memory_space<vmem_shared>> -> memref<10112x64xf32, #tpu.memory_space<vmem_shared>>
        tpu.enqueue_indirect_dma source(%dma_start3A_246 : memref<10112x64xf32, #tpu.memory_space<vmem_shared>>) target(%dma_start3A_240 : memref<128x64xf32, #tpu.memory_space<vmem>>) offsets(%dma_start3A_243 : memref<128xi32, #tpu.memory_space<vmem>>) semaphore(%arg11 : memref<!tpu.dma_semaphore, #tpu.memory_space<semaphore_mem>>)
      } else {
      }
      %mul3A_211 = arith.constant 1 : i32
      %mul3A_212 = arith.muli %mul3A_211, %select_n3A_5 : i32
      %add3A_213 = arith.addi %mul3A_212, %add3A_135 : i32
      %dma_wait3A_214 = arith.constant 1 : i32
      %dma_wait3A_215 = arith.constant 0 : i32
      %dma_wait3A_216 = arith.constant 0 : i32
      %dma_wait3A_217 = tpu.memref_slice %arg10[%dma_wait3A_214, %dma_wait3A_215, %dma_wait3A_216] : memref<2x128x64xf32, #tpu.memory_space<vmem>> -> memref<1x128x64xf32, #tpu.memory_space<vmem>>
      %dma_wait3A_218 = tpu.memref_squeeze %dma_wait3A_217 : memref<1x128x64xf32, #tpu.memory_space<vmem>> -> memref<128x64xf32, #tpu.memory_space<vmem>>
      %dma_wait3A_219 = arith.constant 0 : i32
      %dma_wait3A_220 = tpu.memref_slice %arg9[%add3A_213, %dma_wait3A_219] : memref<80x128xi32, #tpu.memory_space<vmem>> -> memref<1x128xi32, #tpu.memory_space<vmem>>
      %dma_wait3A_221 = tpu.memref_squeeze %dma_wait3A_220 : memref<1x128xi32, #tpu.memory_space<vmem>> -> memref<128xi32, #tpu.memory_space<vmem>>
      %dma_wait3A_222 = arith.constant 0 : i32
      %dma_wait3A_223 = arith.constant 0 : i32
      %dma_wait3A_224 = tpu.memref_slice %arg7[%dma_wait3A_222, %dma_wait3A_223] : memref<10112x64xf32, #tpu.memory_space<vmem_shared>> -> memref<10112x64xf32, #tpu.memory_space<vmem_shared>>
      tpu.wait_indirect_dma semaphore(%arg14 : memref<!tpu.dma_semaphore, #tpu.memory_space<semaphore_mem>>) src(%dma_wait3A_218 : memref<128x64xf32, #tpu.memory_space<vmem>>) dst(%dma_wait3A_224 : memref<10112x64xf32, #tpu.memory_space<vmem_shared>>)
      %sub3A_225 = arith.constant 1 : i32
      %sub3A_226 = arith.subi %select_n3A_5, %sub3A_225 : i32
      %lt3A_227 = arith.cmpi slt, %add3A_135, %sub3A_226 : i32
      %convert_element_type3A_228 = arith.extui %lt3A_227 : i1 to i32
      %cond3A_229 = arith.constant 0 : i32
      %cond3A_230 = arith.cmpi ne, %convert_element_type3A_228, %cond3A_229 : i32
      scf.if %cond3A_230 {
        %add3A_231 = arith.constant 1 : i32
        %add3A_232 = arith.addi %add3A_135, %add3A_231 : i32
        %mul3A_233 = arith.constant 1 : i32
        %mul3A_234 = arith.muli %mul3A_233, %select_n3A_5 : i32
        %add3A_235 = arith.addi %mul3A_234, %add3A_232 : i32
        %dma_start3A_236 = arith.constant 1 : i32
        %dma_start3A_237 = arith.constant 0 : i32
        %dma_start3A_238 = arith.constant 0 : i32
        %dma_start3A_239 = tpu.memref_slice %arg10[%dma_start3A_236, %dma_start3A_237, %dma_start3A_238] : memref<2x128x64xf32, #tpu.memory_space<vmem>> -> memref<1x128x64xf32, #tpu.memory_space<vmem>>
        %dma_start3A_240 = tpu.memref_squeeze %dma_start3A_239 : memref<1x128x64xf32, #tpu.memory_space<vmem>> -> memref<128x64xf32, #tpu.memory_space<vmem>>
        %dma_start3A_241 = arith.constant 0 : i32
        %dma_start3A_242 = tpu.memref_slice %arg8[%add3A_235, %dma_start3A_241] : memref<80x128xi32, #tpu.memory_space<vmem>> -> memref<1x128xi32, #tpu.memory_space<vmem>>
        %dma_start3A_243 = tpu.memref_squeeze %dma_start3A_242 : memref<1x128xi32, #tpu.memory_space<vmem>> -> memref<128xi32, #tpu.memory_space<vmem>>
        %dma_start3A_244 = arith.constant 0 : i32
        %dma_start3A_245 = arith.constant 0 : i32
        %dma_start3A_246 = tpu.memref_slice %arg6[%dma_start3A_244, %dma_start3A_245] : memref<10112x64xf32, #tpu.memory_space<vmem_shared>> -> memref<10112x64xf32, #tpu.memory_space<vmem_shared>>
        tpu.enqueue_indirect_dma source(%dma_start3A_246 : memref<10112x64xf32, #tpu.memory_space<vmem_shared>>) target(%dma_start3A_240 : memref<128x64xf32, #tpu.memory_space<vmem>>) offsets(%dma_start3A_243 : memref<128xi32, #tpu.memory_space<vmem>>) semaphore(%arg12 : memref<!tpu.dma_semaphore, #tpu.memory_space<semaphore_mem>>)
      } else {
      }
    }
    %while3A_129 = arith.constant 1 : i32
    scf.for %while3A_133 = %while3A_127 to %while3A_123 step %while3A_129  : i32 {
      %mul3A_134 = arith.muli %while3A_133, %while3A_119 : i32
      %add3A_135 = arith.addi %while3A_120, %mul3A_134 : i32
      %mul3A_136 = arith.constant 0 : i32
      %mul3A_137 = arith.muli %mul3A_136, %select_n3A_5 : i32
      %add3A_138 = arith.addi %mul3A_137, %add3A_135 : i32
      %dma_wait3A = arith.constant 0 : i32
      %dma_wait3A_139 = arith.constant 0 : i32
      %dma_wait3A_140 = arith.constant 0 : i32
      %dma_wait3A_141 = tpu.memref_slice %arg10[%dma_wait3A, %dma_wait3A_139, %dma_wait3A_140] : memref<2x128x64xf32, #tpu.memory_space<vmem>> -> memref<1x128x64xf32, #tpu.memory_space<vmem>>
      %dma_wait3A_142 = tpu.memref_squeeze %dma_wait3A_141 : memref<1x128x64xf32, #tpu.memory_space<vmem>> -> memref<128x64xf32, #tpu.memory_space<vmem>>
      %dma_wait3A_143 = arith.constant 0 : i32
      %dma_wait3A_144 = tpu.memref_slice %arg8[%add3A_138, %dma_wait3A_143] : memref<80x128xi32, #tpu.memory_space<vmem>> -> memref<1x128xi32, #tpu.memory_space<vmem>>
      %dma_wait3A_145 = tpu.memref_squeeze %dma_wait3A_144 : memref<1x128xi32, #tpu.memory_space<vmem>> -> memref<128xi32, #tpu.memory_space<vmem>>
      %dma_wait3A_146 = arith.constant 0 : i32
      %dma_wait3A_147 = arith.constant 0 : i32
      %dma_wait3A_148 = tpu.memref_slice %arg6[%dma_wait3A_146, %dma_wait3A_147] : memref<10112x64xf32, #tpu.memory_space<vmem_shared>> -> memref<10112x64xf32, #tpu.memory_space<vmem_shared>>
      tpu.wait_indirect_dma semaphore(%arg11 : memref<!tpu.dma_semaphore, #tpu.memory_space<semaphore_mem>>) src(%dma_wait3A_148 : memref<10112x64xf32, #tpu.memory_space<vmem_shared>>) dst(%dma_wait3A_142 : memref<128x64xf32, #tpu.memory_space<vmem>>)
      %mul3A_149 = arith.constant 0 : i32
      %mul3A_150 = arith.muli %mul3A_149, %select_n3A_5 : i32
      %add3A_151 = arith.addi %mul3A_150, %add3A_135 : i32
      %dma_start3A_152 = arith.constant 0 : i32
      %dma_start3A_153 = arith.constant 0 : i32
      %dma_start3A_154 = arith.constant 0 : i32
      %dma_start3A_155 = tpu.memref_slice %arg10[%dma_start3A_152, %dma_start3A_153, %dma_start3A_154] : memref<2x128x64xf32, #tpu.memory_space<vmem>> -> memref<1x128x64xf32, #tpu.memory_space<vmem>>
      %dma_start3A_156 = tpu.memref_squeeze %dma_start3A_155 : memref<1x128x64xf32, #tpu.memory_space<vmem>> -> memref<128x64xf32, #tpu.memory_space<vmem>>
      %dma_start3A_157 = arith.constant 0 : i32
      %dma_start3A_158 = tpu.memref_slice %arg9[%add3A_151, %dma_start3A_157] : memref<80x128xi32, #tpu.memory_space<vmem>> -> memref<1x128xi32, #tpu.memory_space<vmem>>
      %dma_start3A_159 = tpu.memref_squeeze %dma_start3A_158 : memref<1x128xi32, #tpu.memory_space<vmem>> -> memref<128xi32, #tpu.memory_space<vmem>>
      %dma_start3A_160 = arith.constant 0 : i32
      %dma_start3A_161 = arith.constant 0 : i32
      %dma_start3A_162 = tpu.memref_slice %arg7[%dma_start3A_160, %dma_start3A_161] : memref<10112x64xf32, #tpu.memory_space<vmem_shared>> -> memref<10112x64xf32, #tpu.memory_space<vmem_shared>>
      tpu.enqueue_indirect_dma source(%dma_start3A_156 : memref<128x64xf32, #tpu.memory_space<vmem>>) target(%dma_start3A_162 : memref<10112x64xf32, #tpu.memory_space<vmem_shared>>) offsets(%dma_start3A_159 : memref<128xi32, #tpu.memory_space<vmem>>) semaphore(%arg13 : memref<!tpu.dma_semaphore, #tpu.memory_space<semaphore_mem>>) {add = true}
      %mul3A_163 = arith.constant 1 : i32
      %mul3A_164 = arith.muli %mul3A_163, %select_n3A_5 : i32
      %add3A_165 = arith.addi %mul3A_164, %add3A_135 : i32
      %dma_wait3A_166 = arith.constant 1 : i32
      %dma_wait3A_167 = arith.constant 0 : i32
      %dma_wait3A_168 = arith.constant 0 : i32
      %dma_wait3A_169 = tpu.memref_slice %arg10[%dma_wait3A_166, %dma_wait3A_167, %dma_wait3A_168] : memref<2x128x64xf32, #tpu.memory_space<vmem>> -> memref<1x128x64xf32, #tpu.memory_space<vmem>>
      %dma_wait3A_170 = tpu.memref_squeeze %dma_wait3A_169 : memref<1x128x64xf32, #tpu.memory_space<vmem>> -> memref<128x64xf32, #tpu.memory_space<vmem>>
      %dma_wait3A_171 = arith.constant 0 : i32
      %dma_wait3A_172 = tpu.memref_slice %arg8[%add3A_165, %dma_wait3A_171] : memref<80x128xi32, #tpu.memory_space<vmem>> -> memref<1x128xi32, #tpu.memory_space<vmem>>
      %dma_wait3A_173 = tpu.memref_squeeze %dma_wait3A_172 : memref<1x128xi32, #tpu.memory_space<vmem>> -> memref<128xi32, #tpu.memory_space<vmem>>
      %dma_wait3A_174 = arith.constant 0 : i32
      %dma_wait3A_175 = arith.constant 0 : i32
      %dma_wait3A_176 = tpu.memref_slice %arg6[%dma_wait3A_174, %dma_wait3A_175] : memref<10112x64xf32, #tpu.memory_space<vmem_shared>> -> memref<10112x64xf32, #tpu.memory_space<vmem_shared>>
      tpu.wait_indirect_dma semaphore(%arg12 : memref<!tpu.dma_semaphore, #tpu.memory_space<semaphore_mem>>) src(%dma_wait3A_176 : memref<10112x64xf32, #tpu.memory_space<vmem_shared>>) dst(%dma_wait3A_170 : memref<128x64xf32, #tpu.memory_space<vmem>>)
      %mul3A_177 = arith.constant 1 : i32
      %mul3A_178 = arith.muli %mul3A_177, %select_n3A_5 : i32
      %add3A_179 = arith.addi %mul3A_178, %add3A_135 : i32
      %dma_start3A_180 = arith.constant 1 : i32
      %dma_start3A_181 = arith.constant 0 : i32
      %dma_start3A_182 = arith.constant 0 : i32
      %dma_start3A_183 = tpu.memref_slice %arg10[%dma_start3A_180, %dma_start3A_181, %dma_start3A_182] : memref<2x128x64xf32, #tpu.memory_space<vmem>> -> memref<1x128x64xf32, #tpu.memory_space<vmem>>
      %dma_start3A_184 = tpu.memref_squeeze %dma_start3A_183 : memref<1x128x64xf32, #tpu.memory_space<vmem>> -> memref<128x64xf32, #tpu.memory_space<vmem>>
      %dma_start3A_185 = arith.constant 0 : i32
      %dma_start3A_186 = tpu.memref_slice %arg9[%add3A_179, %dma_start3A_185] : memref<80x128xi32, #tpu.memory_space<vmem>> -> memref<1x128xi32, #tpu.memory_space<vmem>>
      %dma_start3A_187 = tpu.memref_squeeze %dma_start3A_186 : memref<1x128xi32, #tpu.memory_space<vmem>> -> memref<128xi32, #tpu.memory_space<vmem>>
      %dma_start3A_188 = arith.constant 0 : i32
      %dma_start3A_189 = arith.constant 0 : i32
      %dma_start3A_190 = tpu.memref_slice %arg7[%dma_start3A_188, %dma_start3A_189] : memref<10112x64xf32, #tpu.memory_space<vmem_shared>> -> memref<10112x64xf32, #tpu.memory_space<vmem_shared>>
      tpu.enqueue_indirect_dma source(%dma_start3A_184 : memref<128x64xf32, #tpu.memory_space<vmem>>) target(%dma_start3A_190 : memref<10112x64xf32, #tpu.memory_space<vmem_shared>>) offsets(%dma_start3A_187 : memref<128xi32, #tpu.memory_space<vmem>>) semaphore(%arg14 : memref<!tpu.dma_semaphore, #tpu.memory_space<semaphore_mem>>) {add = true}
      %mul3A_191 = arith.constant 0 : i32
      %mul3A_192 = arith.muli %mul3A_191, %select_n3A_5 : i32
      %add3A_193 = arith.addi %mul3A_192, %add3A_135 : i32
      %dma_wait3A_194 = arith.constant 0 : i32
      %dma_wait3A_195 = arith.constant 0 : i32
      %dma_wait3A_196 = arith.constant 0 : i32
      %dma_wait3A_197 = tpu.memref_slice %arg10[%dma_wait3A_194, %dma_wait3A_195, %dma_wait3A_196] : memref<2x128x64xf32, #tpu.memory_space<vmem>> -> memref<1x128x64xf32, #tpu.memory_space<vmem>>
      %dma_wait3A_198 = tpu.memref_squeeze %dma_wait3A_197 : memref<1x128x64xf32, #tpu.memory_space<vmem>> -> memref<128x64xf32, #tpu.memory_space<vmem>>
      %dma_wait3A_199 = arith.constant 0 : i32
      %dma_wait3A_200 = tpu.memref_slice %arg9[%add3A_193, %dma_wait3A_199] : memref<80x128xi32, #tpu.memory_space<vmem>> -> memref<1x128xi32, #tpu.memory_space<vmem>>
      %dma_wait3A_201 = tpu.memref_squeeze %dma_wait3A_200 : memref<1x128xi32, #tpu.memory_space<vmem>> -> memref<128xi32, #tpu.memory_space<vmem>>
      %dma_wait3A_202 = arith.constant 0 : i32
      %dma_wait3A_203 = arith.constant 0 : i32
      %dma_wait3A_204 = tpu.memref_slice %arg7[%dma_wait3A_202, %dma_wait3A_203] : memref<10112x64xf32, #tpu.memory_space<vmem_shared>> -> memref<10112x64xf32, #tpu.memory_space<vmem_shared>>
      tpu.wait_indirect_dma semaphore(%arg13 : memref<!tpu.dma_semaphore, #tpu.memory_space<semaphore_mem>>) src(%dma_wait3A_198 : memref<128x64xf32, #tpu.memory_space<vmem>>) dst(%dma_wait3A_204 : memref<10112x64xf32, #tpu.memory_space<vmem_shared>>)
      %sub3A_205 = arith.constant 1 : i32
      %sub3A_206 = arith.subi %select_n3A_5, %sub3A_205 : i32
      %lt3A_207 = arith.cmpi slt, %add3A_135, %sub3A_206 : i32
      %convert_element_type3A_208 = arith.extui %lt3A_207 : i1 to i32
      %cond3A_209 = arith.constant 0 : i32
      %cond3A_210 = arith.cmpi ne, %convert_element_type3A_208, %cond3A_209 : i32
      scf.if %cond3A_210 {
        %add3A_231 = arith.constant 1 : i32
        %add3A_232 = arith.addi %add3A_135, %add3A_231 : i32
        %mul3A_233 = arith.constant 0 : i32
        %mul3A_234 = arith.muli %mul3A_233, %select_n3A_5 : i32
        %add3A_235 = arith.addi %mul3A_234, %add3A_232 : i32
        %dma_start3A_236 = arith.constant 0 : i32
        %dma_start3A_237 = arith.constant 0 : i32
        %dma_start3A_238 = arith.constant 0 : i32
        %dma_start3A_239 = tpu.memref_slice %arg10[%dma_start3A_236, %dma_start3A_237, %dma_start3A_238] : memref<2x128x64xf32, #tpu.memory_space<vmem>> -> memref<1x128x64xf32, #tpu.memory_space<vmem>>
        %dma_start3A_240 = tpu.memref_squeeze %dma_start3A_239 : memref<1x128x64xf32, #tpu.memory_space<vmem>> -> memref<128x64xf32, #tpu.memory_space<vmem>>
        %dma_start3A_241 = arith.constant 0 : i32
        %dma_start3A_242 = tpu.memref_slice %arg8[%add3A_235, %dma_start3A_241] : memref<80x128xi32, #tpu.memory_space<vmem>> -> memref<1x128xi32, #tpu.memory_space<vmem>>
        %dma_start3A_243 = tpu.memref_squeeze %dma_start3A_242 : memref<1x128xi32, #tpu.memory_space<vmem>> -> memref<128xi32, #tpu.memory_space<vmem>>
        %dma_start3A_244 = arith.constant 0 : i32
        %dma_start3A_245 = arith.constant 0 : i32
        %dma_start3A_246 = tpu.memref_slice %arg6[%dma_start3A_244, %dma_start3A_245] : memref<10112x64xf32, #tpu.memory_space<vmem_shared>> -> memref<10112x64xf32, #tpu.memory_space<vmem_shared>>
        tpu.enqueue_indirect_dma source(%dma_start3A_246 : memref<10112x64xf32, #tpu.memory_space<vmem_shared>>) target(%dma_start3A_240 : memref<128x64xf32, #tpu.memory_space<vmem>>) offsets(%dma_start3A_243 : memref<128xi32, #tpu.memory_space<vmem>>) semaphore(%arg11 : memref<!tpu.dma_semaphore, #tpu.memory_space<semaphore_mem>>)
      } else {
      }
      %mul3A_211 = arith.constant 1 : i32
      %mul3A_212 = arith.muli %mul3A_211, %select_n3A_5 : i32
      %add3A_213 = arith.addi %mul3A_212, %add3A_135 : i32
      %dma_wait3A_214 = arith.constant 1 : i32
      %dma_wait3A_215 = arith.constant 0 : i32
      %dma_wait3A_216 = arith.constant 0 : i32
      %dma_wait3A_217 = tpu.memref_slice %arg10[%dma_wait3A_214, %dma_wait3A_215, %dma_wait3A_216] : memref<2x128x64xf32, #tpu.memory_space<vmem>> -> memref<1x128x64xf32, #tpu.memory_space<vmem>>
      %dma_wait3A_218 = tpu.memref_squeeze %dma_wait3A_217 : memref<1x128x64xf32, #tpu.memory_space<vmem>> -> memref<128x64xf32, #tpu.memory_space<vmem>>
      %dma_wait3A_219 = arith.constant 0 : i32
      %dma_wait3A_220 = tpu.memref_slice %arg9[%add3A_213, %dma_wait3A_219] : memref<80x128xi32, #tpu.memory_space<vmem>> -> memref<1x128xi32, #tpu.memory_space<vmem>>
      %dma_wait3A_221 = tpu.memref_squeeze %dma_wait3A_220 : memref<1x128xi32, #tpu.memory_space<vmem>> -> memref<128xi32, #tpu.memory_space<vmem>>
      %dma_wait3A_222 = arith.constant 0 : i32
      %dma_wait3A_223 = arith.constant 0 : i32
      %dma_wait3A_224 = tpu.memref_slice %arg7[%dma_wait3A_222, %dma_wait3A_223] : memref<10112x64xf32, #tpu.memory_space<vmem_shared>> -> memref<10112x64xf32, #tpu.memory_space<vmem_shared>>
      tpu.wait_indirect_dma semaphore(%arg14 : memref<!tpu.dma_semaphore, #tpu.memory_space<semaphore_mem>>) src(%dma_wait3A_218 : memref<128x64xf32, #tpu.memory_space<vmem>>) dst(%dma_wait3A_224 : memref<10112x64xf32, #tpu.memory_space<vmem_shared>>)
      %sub3A_225 = arith.constant 1 : i32
      %sub3A_226 = arith.subi %select_n3A_5, %sub3A_225 : i32
      %lt3A_227 = arith.cmpi slt, %add3A_135, %sub3A_226 : i32
      %convert_element_type3A_228 = arith.extui %lt3A_227 : i1 to i32
      %cond3A_229 = arith.constant 0 : i32
      %cond3A_230 = arith.cmpi ne, %convert_element_type3A_228, %cond3A_229 : i32
      scf.if %cond3A_230 {
        %add3A_231 = arith.constant 1 : i32
        %add3A_232 = arith.addi %add3A_135, %add3A_231 : i32
        %mul3A_233 = arith.constant 1 : i32
        %mul3A_234 = arith.muli %mul3A_233, %select_n3A_5 : i32
        %add3A_235 = arith.addi %mul3A_234, %add3A_232 : i32
        %dma_start3A_236 = arith.constant 1 : i32
        %dma_start3A_237 = arith.constant 0 : i32
        %dma_start3A_238 = arith.constant 0 : i32
        %dma_start3A_239 = tpu.memref_slice %arg10[%dma_start3A_236, %dma_start3A_237, %dma_start3A_238] : memref<2x128x64xf32, #tpu.memory_space<vmem>> -> memref<1x128x64xf32, #tpu.memory_space<vmem>>
        %dma_start3A_240 = tpu.memref_squeeze %dma_start3A_239 : memref<1x128x64xf32, #tpu.memory_space<vmem>> -> memref<128x64xf32, #tpu.memory_space<vmem>>
        %dma_start3A_241 = arith.constant 0 : i32
        %dma_start3A_242 = tpu.memref_slice %arg8[%add3A_235, %dma_start3A_241] : memref<80x128xi32, #tpu.memory_space<vmem>> -> memref<1x128xi32, #tpu.memory_space<vmem>>
        %dma_start3A_243 = tpu.memref_squeeze %dma_start3A_242 : memref<1x128xi32, #tpu.memory_space<vmem>> -> memref<128xi32, #tpu.memory_space<vmem>>
        %dma_start3A_244 = arith.constant 0 : i32
        %dma_start3A_245 = arith.constant 0 : i32
        %dma_start3A_246 = tpu.memref_slice %arg6[%dma_start3A_244, %dma_start3A_245] : memref<10112x64xf32, #tpu.memory_space<vmem_shared>> -> memref<10112x64xf32, #tpu.memory_space<vmem_shared>>
        tpu.enqueue_indirect_dma source(%dma_start3A_246 : memref<10112x64xf32, #tpu.memory_space<vmem_shared>>) target(%dma_start3A_240 : memref<128x64xf32, #tpu.memory_space<vmem>>) offsets(%dma_start3A_243 : memref<128xi32, #tpu.memory_space<vmem>>) semaphore(%arg12 : memref<!tpu.dma_semaphore, #tpu.memory_space<semaphore_mem>>)
      } else {
      }
    }
    %barrier3A_130 = arith.constant 0 : index
    tpu.barrier barrier_id(%barrier3A_130)
    %run_scoped3A_131 = arith.constant 1 : i32
    "tpu.region"() ({
      %run_scoped3A_133 = tpu.sem_alloc : memref<!tpu.dma_semaphore, #tpu.memory_space<semaphore_mem>>
      %dma_start3A_134 = arith.constant 0 : i32
      %dma_start3A_135 = tpu.memref_slice %arg5[%arg0, %run_scoped3A_131, %mul3A_0, %dma_start3A_134] : memref<2x2x10112x64xf32, #tpu.memory_space<hbm>> -> memref<1x1x632x64xf32, #tpu.memory_space<hbm>>
      %dma_start3A_136 = tpu.memref_squeeze %dma_start3A_135 : memref<1x1x632x64xf32, #tpu.memory_space<hbm>> -> memref<632x64xf32, #tpu.memory_space<hbm>>
      %dma_start3A_137 = arith.constant 0 : i32
      %dma_start3A_138 = tpu.memref_slice %arg7[%mul3A_0, %dma_start3A_137] : memref<10112x64xf32, #tpu.memory_space<vmem_shared>> -> memref<632x64xf32, #tpu.memory_space<vmem_shared>>
      tpu.enqueue_dma source(%dma_start3A_138 : memref<632x64xf32, #tpu.memory_space<vmem_shared>>) target(%dma_start3A_136 : memref<632x64xf32, #tpu.memory_space<hbm>>) target_semaphore(%run_scoped3A_133 : memref<!tpu.dma_semaphore, #tpu.memory_space<semaphore_mem>>)
      %dma_wait3A = arith.constant 0 : i32
      %dma_wait3A_139 = tpu.memref_slice %arg5[%arg0, %run_scoped3A_131, %mul3A_0, %dma_wait3A] : memref<2x2x10112x64xf32, #tpu.memory_space<hbm>> -> memref<1x1x632x64xf32, #tpu.memory_space<hbm>>
      %dma_wait3A_140 = tpu.memref_squeeze %dma_wait3A_139 : memref<1x1x632x64xf32, #tpu.memory_space<hbm>> -> memref<632x64xf32, #tpu.memory_space<hbm>>
      %dma_wait3A_141 = arith.constant 0 : i32
      %dma_wait3A_142 = tpu.memref_slice %arg7[%mul3A_0, %dma_wait3A_141] : memref<10112x64xf32, #tpu.memory_space<vmem_shared>> -> memref<632x64xf32, #tpu.memory_space<vmem_shared>>
      tpu.wait_dma2 semaphore(%run_scoped3A_133 : memref<!tpu.dma_semaphore, #tpu.memory_space<semaphore_mem>>) src(%dma_wait3A_142 : memref<632x64xf32, #tpu.memory_space<vmem_shared>>) dst(%dma_wait3A_140 : memref<632x64xf32, #tpu.memory_space<hbm>>)
      tpu.yield
    }) : () -> ()
    %barrier3A_132 = arith.constant 0 : index
    tpu.barrier barrier_id(%barrier3A_132)
    return
  }
}

module attributes {stable_mosaic.version = 14 : i64} {
  func.func @_tc_body(%arg0: memref<2x2x10112x64xf32, #tpu.memory_space<any>>, %arg1: memref<128x128xf32, #tpu.memory_space<vmem>>, %arg2: memref<1x128xf32, #tpu.memory_space<vmem>>, %arg3: memref<128x128xf32, #tpu.memory_space<vmem>>, %arg4: memref<128x1xf32, #tpu.memory_space<vmem>>, %arg5: memref<128x10000xf32, #tpu.memory_space<vmem>>, %arg6: memref<2x2x10112x64xf32, #tpu.memory_space<vmem>>, %arg7: memref<!tpu.dma_semaphore, #tpu.memory_space<semaphore_mem>>) attributes {dimension_semantics = [], scalar_prefetch = 0 : i64, scratch_operands = 2 : i64, tpu.core_type = #tpu.core_type<tc>} {
    tpu.enqueue_dma source(%arg0 : memref<2x2x10112x64xf32, #tpu.memory_space<any>>) target(%arg6 : memref<2x2x10112x64xf32, #tpu.memory_space<vmem>>) target_semaphore(%arg7 : memref<!tpu.dma_semaphore, #tpu.memory_space<semaphore_mem>>)
    tpu.wait_dma2 semaphore(%arg7 : memref<!tpu.dma_semaphore, #tpu.memory_space<semaphore_mem>>) src(%arg0 : memref<2x2x10112x64xf32, #tpu.memory_space<any>>) dst(%arg6 : memref<2x2x10112x64xf32, #tpu.memory_space<vmem>>)
    %get3A = arith.constant 0 : index
    %get3A_0 = arith.constant 0 : index
    %get3A_1 = arith.constant 0 : index
    %get3A_2 = arith.constant 0 : index
    %get3A_3 = vector.load %arg6[%get3A, %get3A_0, %get3A_1, %get3A_2] : memref<2x2x10112x64xf32, #tpu.memory_space<vmem>>, vector<1x1x10000x64xf32>
    %get3A_4 = vector.shape_cast %get3A_3 : vector<1x1x10000x64xf32> to vector<10000x64xf32>
    %get3A_5 = arith.constant 1 : index
    %get3A_6 = arith.constant 0 : index
    %get3A_7 = arith.constant 0 : index
    %get3A_8 = arith.constant 0 : index
    %get3A_9 = vector.load %arg6[%get3A_5, %get3A_6, %get3A_7, %get3A_8] : memref<2x2x10112x64xf32, #tpu.memory_space<vmem>>, vector<1x1x10000x64xf32>
    %get3A_10 = vector.shape_cast %get3A_9 : vector<1x1x10000x64xf32> to vector<10000x64xf32>
    %add3A = arith.addf %get3A_4, %get3A_10 : vector<10000x64xf32>
    %get3A_11 = arith.constant 0 : index
    %get3A_12 = arith.constant 1 : index
    %get3A_13 = arith.constant 0 : index
    %get3A_14 = arith.constant 0 : index
    %get3A_15 = vector.load %arg6[%get3A_11, %get3A_12, %get3A_13, %get3A_14] : memref<2x2x10112x64xf32, #tpu.memory_space<vmem>>, vector<1x1x10000x64xf32>
    %get3A_16 = vector.shape_cast %get3A_15 : vector<1x1x10000x64xf32> to vector<10000x64xf32>
    %get3A_17 = arith.constant 1 : index
    %get3A_18 = arith.constant 1 : index
    %get3A_19 = arith.constant 0 : index
    %get3A_20 = arith.constant 0 : index
    %get3A_21 = vector.load %arg6[%get3A_17, %get3A_18, %get3A_19, %get3A_20] : memref<2x2x10112x64xf32, #tpu.memory_space<vmem>>, vector<1x1x10000x64xf32>
    %get3A_22 = vector.shape_cast %get3A_21 : vector<1x1x10000x64xf32> to vector<10000x64xf32>
    %add3A_23 = arith.addf %get3A_16, %get3A_22 : vector<10000x64xf32>
    %get3A_24 = arith.constant 0 : index
    %get3A_25 = arith.constant 0 : index
    %get3A_26 = vector.load %arg1[%get3A_24, %get3A_25] : memref<128x128xf32, #tpu.memory_space<vmem>>, vector<128x64xf32>
    %get3A_27 = arith.constant 0 : index
    %get3A_28 = arith.constant 64 : index
    %get3A_29 = vector.load %arg1[%get3A_27, %get3A_28] : memref<128x128xf32, #tpu.memory_space<vmem>>, vector<128x64xf32>
    %dot_general3A = arith.constant dense<0.000000e+00> : vector<10000x128xf32>
    %dot_general3A_30 = tpu.matmul %add3A, %get3A_26, %dot_general3A {dimension_numbers = #tpu.dot_dimension_numbers<[1], [1], [0], [0], [0, 0, 1, 0], [], []>, transpose_lhs_hint = false} : vector<10000x64xf32>, vector<128x64xf32>, vector<10000x128xf32> -> vector<10000x128xf32>
    %dot_general3A_31 = arith.constant dense<0.000000e+00> : vector<10000x128xf32>
    %dot_general3A_32 = tpu.matmul %add3A_23, %get3A_29, %dot_general3A_31 {dimension_numbers = #tpu.dot_dimension_numbers<[1], [1], [0], [0], [0, 0, 1, 0], [], []>, transpose_lhs_hint = false} : vector<10000x64xf32>, vector<128x64xf32>, vector<10000x128xf32> -> vector<10000x128xf32>
    %add3A_33 = arith.addf %dot_general3A_30, %dot_general3A_32 : vector<10000x128xf32>
    %get3A_34 = arith.constant 0 : index
    %get3A_35 = arith.constant 0 : index
    %get3A_36 = vector.load %arg2[%get3A_34, %get3A_35] : memref<1x128xf32, #tpu.memory_space<vmem>>, vector<1x128xf32>
    %add3A_37 = vector.broadcast %get3A_36 : vector<1x128xf32> to vector<10000x128xf32>
    %add3A_38 = arith.addf %add3A_33, %add3A_37 : vector<10000x128xf32>
    %max3A = arith.constant 0.000000e+00 : f32
    %max3A_39 = vector.broadcast %max3A : f32 to vector<10000x128xf32>
    %max3A_40 = arith.maximumf %add3A_38, %max3A_39 : vector<10000x128xf32>
    %get3A_41 = arith.constant 0 : index
    %get3A_42 = arith.constant 0 : index
    %get3A_43 = vector.load %arg3[%get3A_41, %get3A_42] : memref<128x128xf32, #tpu.memory_space<vmem>>, vector<128x128xf32>
    %dot_general3A_44 = arith.constant dense<0.000000e+00> : vector<128x10000xf32>
    %dot_general3A_45 = tpu.matmul %get3A_43, %max3A_40, %dot_general3A_44 {dimension_numbers = #tpu.dot_dimension_numbers<[1], [1], [0], [0], [0, 0, 1, 0], [], []>, transpose_lhs_hint = false} : vector<128x128xf32>, vector<10000x128xf32>, vector<128x10000xf32> -> vector<128x10000xf32>
    %get3A_46 = arith.constant 0 : index
    %get3A_47 = arith.constant 0 : index
    %get3A_48 = vector.load %arg4[%get3A_46, %get3A_47] : memref<128x1xf32, #tpu.memory_space<vmem>>, vector<128x1xf32>
    %add3A_49 = vector.broadcast %get3A_48 : vector<128x1xf32> to vector<128x10000xf32>
    %add3A_50 = arith.addf %dot_general3A_45, %add3A_49 : vector<128x10000xf32>
    %swap3A = arith.constant 0 : index
    %swap3A_51 = arith.constant 0 : index
    %swap3A_52 = vector.load %arg5[%swap3A, %swap3A_51] : memref<128x10000xf32, #tpu.memory_space<vmem>>, vector<128x10000xf32>
    tpu.vector_store %arg5[%swap3A, %swap3A_51], %add3A_50 {strides = array<i32>} : memref<128x10000xf32, #tpu.memory_space<vmem>>, vector<128x10000xf32>,
    return
  }
}

</mosaic_0001>

<sc_bundles>
// kernel: kernel.4.cloned.1.call-start
scs
__scs_entry_jumppad:
0x0: {  	(pc) =	sbr.rel $0x88, $3  }
0x1: {  	(tag) =	ssettag $0x0;
	lr =	simm.s32 $0x1  }
0x2: {  	[smem:$0x3F9B] =	sst lr;
	_ =	strace $0xD0000000  }
0x3: {  	_ = 	snop  }
0x4: {  	_ = 	snop  }
0x5: {  	_ = 	snop  }
0x6: {  	_ = 	snop  }
0x7: {  	_ = 	snop  }
__scs_overlays_trampoline_lowered:
0x8: {  	[smem:$0x3FAA] =	sst s0  }
0x9: {  	[smem:$0x3FAB] =	sst s1  }
0xa: {  	[smem:$0x3FAC] =	sst s2  }
0xb: {  	[smem:$0x3FAD] =	sst s3  }
0xc: {  	[smem:$0x3FAE] =	sst s4  }
0xd: {  	[smem:$0x3FAF] =	sst s5  }
0xe: {  	[smem:$0x3FB0] =	sst s6  }
0xf: {  	[smem:$0x3FB1] =	sst s7  }
0x10: {  	[smem:$0x3FB2] =	sst s8  }
0x11: {  	[smem:$0x3FB3] =	sst s9;
	s0 =	simm.s32 @!p0 $0x0  }
0x12: {  	s1 =	sld [smem:$0x3F99];
	s0 =	simm.s32 @p0 $0x1  }
0x13: {  	[smem:$0x3FB4] =	sst s0;
	s0 =	simm.s32 @!p1 $0x0  }
0x14: {  	s2 =	sld [smem:$0x3F98];
	s0 =	simm.s32 @p1 $0x1  }
0x15: {  	[smem:$0x3FB5] =	sst s0;
	s0 =	simm.s32 @!p2 $0x0  }
0x16: {  	s3 =	sld [smem:$0x3FDB];
	s0 =	simm.s32 @p2 $0x1  }
0x17: {  	s4 =	simm.s32 $0x1BF5;
	[smem:$0x3FB7] =	sst s0  }
0x18: {  	s0 =	sld [smem:$0x3F9A];
	_ =	swait.ge [sflag:s4], $0x0  }
0x19: {  	s7 =	sld [smem:$0x3F9B]  }
0x1a: {  	s8 =	sadd.s32 $0xFFFFE003, lr  }
0x1b: {  	s9 =	sadd.s32 $0xFFFFFEF7, lr;
	s5 =	simm.s32 $0xFFFFFFFF;
	p2 =	slt.u32 s8, $0xFFFFF086  }
0x1c: {  	p1 =	slt.u32 s9, $0xF7A;
	s5 =	simm.s32 @!p2 $0x0  }
0x1d: {  	s5 =	simm.s32 @p1 $0x1;
	p0 =	seq.s32 s7, s2  }
0x1e: {  	s7 =	smul.u32 @!p0 $0xF7A, s2;
	p2 =	seq.s32 @!p0 s5, $0x0  }
0x1f: {  	s9 =	smul.u32 $0xF7A, s1;
	s8 =	simm.s32 @!p0 $0x1BF5;
	p2 =	por !p2, p0  }
0x20: {  	[sflag:s8] =	ssyncset.s32 @!p0 $0xFFFFF086;
	s6 =	sadd.s32 @!p0 s3, s7;
	s7 =	simm.s32 @!p0 $0x108  }
0x21: {  	s3 =	sadd.s32 s3, s9;
	s6 =	sadd.s32 @!p0 $0x88, s6;
	s7 =	simm.s32 @p2 $0x1082  }
0x22: {  	[simem:s7], [sflag:s8] =	dma.local @!p0 [hbm:s6], $0xF7A  }
0x23: {  	s9 =	sor.u32 $0xD0000000, s2;
	s6 =	simm.s32 $0x108;
	_ =	swait.ge @!p0 [sflag:s8], $0x0  }
0x24: {  	s3 =	sadd.s32 $0x88, s3;
	s6 =	simm.s32 @!p1 $0x1082;
	[sflag:s4] =	ssyncset.s32 $0xFFFFF086  }
0x25: {  	[simem:s6], [sflag:s4] =	dma.local [hbm:s3], $0xF7A  }
0x26: {  	[smem:$0x3F9B] =	sst s1;
	(tag) =	ssettag s2;
	_ =	strace s9  }
0x27: {  	s1 =	sld [smem:$0x3FAB]  }
0x28: {  	s2 =	sld [smem:$0x3FAC]  }
0x29: {  	s4 =	sld [smem:$0x3FAE]  }
0x2a: {  	p0 =	seq.s32 s5, $0x0;
	s5 =	sld [smem:$0x3FAF]  }
0x2b: {  	s6 =	sld [smem:$0x3FB0]  }
0x2c: {  	s7 =	sld [smem:$0x3FB1]  }
0x2d: {  	s3 =	simm.s32 $0x108;
	s8 =	sld [smem:$0x3FB2]  }
0x2e: {  	s3 =	simm.s32 @!p0 $0x1082;
	s9 =	sld [smem:$0x3FB3]  }
0x2f: {  	lr =	sadd.s32 s0, s3;
	s0 =	sld [smem:$0x3FAA]  }
0x30: {  	s3 =	sld [smem:$0x3FAD]  }
0x31: {  	[smem:$0x3FB6] =	sst s10  }
0x32: {  	s10 =	sld [smem:$0x3FB4];
	_ =	sdelay $0x3  }
0x33: {  	p0 =	seq.s32 s10, $0x1;
	s10 =	sld [smem:$0x3FB6];
	_ =	sdelay $0x3  }
0x34: {  	[smem:$0x3FB6] =	sst s10  }
0x35: {  	s10 =	sld [smem:$0x3FB5];
	_ =	sdelay $0x3  }
0x36: {  	p1 =	seq.s32 s10, $0x1;
	s10 =	sld [smem:$0x3FB6];
	_ =	sdelay $0x3  }
0x37: {  	[smem:$0x3FB6] =	sst s10  }
0x38: {  	s10 =	sld [smem:$0x3FB7]  }
0x39: {  	_ = 	snop;
	(pc) =	sbr.ind lr, $3  }
0x3a: {  	_ = 	snop  }
0x3b: {  	_ = 	snop  }
0x3c: {  	p2 =	seq.s32 s10, $0x1;
	s10 =	sld [smem:$0x3FB6]  }
0x3d: {  	_ =	shalt  }
0x3e: {  	_ =	shalt  }
0x3f: {  	_ =	shalt  }
0x40: {  	_ =	shalt  }
0x41: {  	_ =	shalt  }
0x42: {  	_ =	shalt  }
0x43: {  	_ =	shalt  }
0x44: {  	_ =	shalt  }
0x45: {  	_ =	shalt  }
0x46: {  	_ =	shalt  }
0x47: {  	_ =	shalt  }
0x48: {  	_ =	shalt  }
0x49: {  	_ =	shalt  }
0x4a: {  	_ =	shalt  }
0x4b: {  	_ =	shalt  }
0x4c: {  	_ =	shalt  }
0x4d: {  	_ =	shalt  }
0x4e: {  	_ =	shalt  }
0x4f: {  	_ =	shalt  }
0x50: {  	_ =	shalt  }
0x51: {  	_ =	shalt  }
0x52: {  	_ =	shalt  }
0x53: {  	_ =	shalt  }
0x54: {  	_ =	shalt  }
0x55: {  	_ =	shalt  }
0x56: {  	_ =	shalt  }
0x57: {  	_ =	shalt  }
0x58: {  	_ =	shalt  }
0x59: {  	_ =	shalt  }
0x5a: {  	_ =	shalt  }
0x5b: {  	_ =	shalt  }
0x5c: {  	_ =	shalt  }
0x5d: {  	_ =	shalt  }
0x5e: {  	_ =	shalt  }
0x5f: {  	_ =	shalt  }
0x60: {  	_ =	shalt  }
0x61: {  	_ =	shalt  }
0x62: {  	_ =	shalt  }
0x63: {  	_ =	shalt  }
0x64: {  	_ =	shalt  }
0x65: {  	_ =	shalt  }
0x66: {  	_ =	shalt  }
0x67: {  	_ =	shalt  }
0x68: {  	_ =	shalt  }
0x69: {  	_ =	shalt  }
0x6a: {  	_ =	shalt  }
0x6b: {  	_ =	shalt  }
0x6c: {  	_ =	shalt  }
0x6d: {  	_ =	shalt  }
0x6e: {  	_ =	shalt  }
0x6f: {  	_ =	shalt  }
0x70: {  	_ =	shalt  }
0x71: {  	_ =	shalt  }
0x72: {  	_ =	shalt  }
0x73: {  	_ =	shalt  }
0x74: {  	_ =	shalt  }
0x75: {  	_ =	shalt  }
0x76: {  	_ =	shalt  }
0x77: {  	_ =	shalt  }
0x78: {  	_ =	shalt  }
0x79: {  	_ =	shalt  }
0x7a: {  	_ =	shalt  }
0x7b: {  	_ =	shalt  }
0x7c: {  	_ =	shalt  }
0x7d: {  	_ =	shalt  }
0x7e: {  	_ =	shalt  }
0x7f: {  	_ =	shalt  }
0x80: {  	_ =	shalt  }
0x81: {  	_ =	shalt  }
0x82: {  	_ =	shalt  }
0x83: {  	_ =	shalt  }
0x84: {  	_ =	shalt  }
0x85: {  	_ =	shalt  }
0x86: {  	_ =	shalt  }
0x87: {  	_ =	shalt  }
.Lfunc_end0:
.L_simem_size_0:
called_computation_lowered:
.L_overlay_start_0:
0x88: {  	s2 =	sld [smem:$0x3FD9]  }
0x89: {  	s3 =	sld [smem:$0x3FFE];
	_ =	sdelay $0x1  }
0x8a: {  	s1 =	srdreg.scid  }
0x8b: {  	s0 =	sand.u32 $0x1, s1  }
0x8c: {  	s17 =	sshll.u32 s0, $0xA;
	s2 =	sadd.s32 s3, s2  }
0x8d: {  	s2 =	sadd.s32 s2, s17  }
0x8e: {  	[smem:$0x3FC2] =	sst s2  }
0x8f: {  	_ = 	snop  }
0x90: {  	s2 =	sld [smem:$0x3FC9]  }
0x91: {  	s18 =	sld [smem:$0x3FD0];
	(tm) =	ssettm $0x1  }
0x92: {  	s4 =	sld [smem:$0x3FFB];
	_ =	sdelay $0x3  }
0x93: {  	_ =	strace s4  }
0x94: {  	s4 =	sld [smem:$0x3FFC];
	_ =	sdelay $0x3  }
0x95: {  	_ =	strace s4  }
0x96: {  	s4 =	sld [smem:$0x3FFD];
	_ =	sdelay $0x3  }
0x97: {  	_ =	strace s4  }
0x98: {  	_ =	strace $0x8FFFFFFF  }
0x99: {  	s19 =	sld [smem:$0x3FDB];
	_ =	sdelay $0x1  }
0x9a: {  	s5 =	simm.s32 $_scs_section_size  }
0x9b: {  	s6 =	simm.s32 $_size__tile_overlayer_lowered;
	s7 =	simm.s32 $_tile_overlayer_lowered  }
0x9c: {  	s22 =	simm.s32 $0x1BFF;
	s21 =	sshll.u32 s7, $0x1;
	s4 =	sadd.s32 s5, s19  }
0x9d: {  	s8 =	simm.s32 $0x0;
	s20 =	sshll.u32 s6, $0x1;
	s6 =	sadd.s32 s21, s4  }
0x9e: {  	[timem:s8], [sflag:s22] =	dma.local [hbm:s6], s20  }
0x9f: {  	_ =	swait.ge [sflag:s22], s20  }
0xa0: {  	s5 =	ssub.s32 $0x0, s20;
	[sflag:s22] =	ssyncset.done $0x0  }
0xa1: {  	[sflag:s22] =	ssyncadd.s32 s5;
	_ =	sdelay $0x1  }
0xa2: {  	s23 =	simm.s32 $0x1B8B  }
0xa3: {  	_ =	swait.ge [sflag:s23], $0x1  }
0xa4: {  	[sflag:s23] =	ssyncset.done $0x0  }
0xa5: {  	s25 =	simm.s32 $0x1B8E;
	s24 =	sld [smem:$0x3FFE];
	[sflag:s23] =	ssyncadd.s32 $0xFFFFFFFF  }
0xa6: {  	s26 =	simm.s32 $execute0_lowered;
	[smem:$0x3FD2] =	sst s25  }
0xa7: {  	s6 =	sshll.u32 s26, $0x1;
	_ =	strace $0x80000046;
	[dreg:$0x1] =	wrdreg $0xFFFFFFFF  }
0xa8: {  	s28 =	simm.s32 $_size_execute0_lowered;
	s4 =	sadd.s32 s4, s6;
	[dreg:$0x0] =	wrdreg $0x0  }
0xa9: {  	s6 =	sshll.u32 s28, $0x1;
	[dreg:$0x2] =	wrdreg s4  }
0xaa: {  	[dreg:$0x3] =	wrdreg s6  }
0xab: {  	[dreg:$0x4] =	wrdreg $0xC0  }
0xac: {  	_ =	task [dreg:s8], $0x5FFFF  }
0xad: {  	[dreg:$0x1] =	wrdreg $0xFFFFFFFF  }
0xae: {  	[dreg:$0x0] =	wrdreg $0x60  }
0xaf: {  	[dreg:$0x2] =	wrdreg s2  }
0xb0: {  	[dreg:$0x3] =	wrdreg s24  }
0xb1: {  	[dreg:$0x4] =	wrdreg s18  }
0xb2: {  	[dreg:$0x5] =	wrdreg $0x0  }
0xb3: {  	[dreg:$0x6] =	wrdreg $0x9E000  }
0xb4: {  	[dreg:$0x7] =	wrdreg $0x9  }
0xb5: {  	_ =	task.clear_ibuf [dreg:s8], $0x8FFFF;
	_ =	strace $0x90000046  }
0xb6: {  	s29 =	simm.s32 $0x9;
	_ =	strace $0x80000048  }
0xb7: {  	_ =	swait.ge [sflag:s29], $0x1  }
0xb8: {  	[sflag:s29] =	ssyncadd.s32 $0xFFFFFFFF  }
0xb9: {  	_ =	strace $0x90000048  }
0xba: {  	_ =	sfence  }
0xbb: {  	s30 =	sld [smem:$0x0];
	_ =	sdelay $0x2  }
0xbc: {  	s31 =	sshll.u32 s1, $0xD;
	s1 =	sshrl.u32 s1, $0x2  }
0xbd: {  	s3 =	sand.u32 $0x4000, s31;
	s1 =	sadd.s32 s1, s30  }
0xbe: {  	s0 =	sor.u32 s3, s0;
	s1 =	sshll.u32 s1, $0x11  }
0xbf: {  	s0 =	sor.u32 s1, s0  }
0xc0: {  	s0 =	sadd.s32 $0x8F2B, s0  }
0xc1: {  	[sflag:s0] =	ssyncadd.remote.s32 $0x1  }
0xc2: {  	_ =	sfence.sel $0xFFFF  }
0xc3: {  	[dreg:$0x0] =	wrdreg $0xFFFFFFFF;
	(pc) =	sbr.abs _section_cstart, $3  }
0xc4: {  	[dreg:$0x1] =	wrdreg $0xFFFFFFFF  }
0xc5: {  	_ =	task.clear_ibuf [dreg:s8], $0x2FFFF;
	_ =	strace $0x9FFFFFFF  }
0xc6: {  	(tm) =	ssettm $0x7FFFFFFF  }
0xc7: {  	_ =	shalt  }
tec
execute0_lowered:
.L_overlay_start_1:
0x0: {  	(tag) =	ssettag $0x1  }
0x1: {  	s0 =	rddreg [dreg:$0x0]  }
0x2: {  	s1 =	rddreg [dreg:$0x1]  }
0x3: {  	s5 =	rddreg [dreg:$0x2]  }
0x4: {  	s2 =	rddreg [dreg:$0x3];
	s4 =	srdreg.scid  }
0x5: {  	s3 =	rddreg [dreg:$0x4];
	s13 =	stileid.u32  }
0x6: {  	s29 =	simm.s32 $0x5;
	s30 =	simm.s32 $0x80;
	s8 =	smul.u32 $0x9E00, s13  }
0x7: {  	s6 =	sand.u32 $0x1, s4;
	s4 =	simm.s32 $0x0;
	s12 =	smul.u32 $0x27800, s13  }
0x8: {  	s17 =	smul.u32 $0x2780, s13;
	s18 =	sadd.s32 $0xA700, s1;
	s19 =	sadd.s32 $0x94200, s2  }
0x9: {  	s21 =	sadd.s32 $0x25080, s0;
	p1 =	seq.s32 s13, $0xF;
	s7 =	sshll.u32 s6, $0x4  }
0xa: {  	s9 =	smul.u32 $0x13C000, s6;
	[smem:$0x7FF] =	sst s4;
	s6 =	ssub.s32 $0x2, s6  }
0xb: {  	s7 =	sor.u32 s13, s7;
	_ =	strace $0x80000047;
	[dreg:$0x8] =	wrdreg s18  }
0xc: {  	s11 =	sshrl.u32 s6, $0x1;
	s16 =	sshrl.u32 s12, $0x2;
	[dreg:$0xb] =	wrdreg s19  }
0xd: {  	s14 =	sadd.s32 s0, s17;
	[dreg:$0xc] =	wrdreg s21;
	s22 =	sshrl.u32 s8, $0x3  }
0xe: {  	s0 =	sadd.s32 $0x25088, s0;
	s10 =	smul.u32 $0x2800, s7;
	s9 =	sadd.s32 s8, s9  }
0xf: {  	p0 =	seq.s32 s7, $0x1F;
	s7 =	simm.s32 $0xA;
	s6 =	ssub.s32 s6, s11  }
0x10: {  	s5 =	sadd.s32 s5, s22;
	[dreg:$0xa] =	wrdreg s14;
	s25 =	sadd.s32 $0x8, s14  }
0x11: {  	[dreg:$0x12] =	wrdreg s0;
	s0 =	simm.s32 $0x14600;
	s9 =	sshrl.u32 s9, $0x3  }
0x12: {  	s7 =	simm.s32 @!p0 $0x28;
	[dreg:$0xe] =	wrdreg s5;
	s5 =	sadd.s32 s8, s2  }
0x13: {  	[dreg:$0x11] =	wrdreg s25;
	s31 =	smax.u32 s6, $0x1;
	s0 =	simm.s32 @!p0 $0x16400  }
0x14: {  	s6 =	simm.s32 $0x2;
	s10 =	sshrl.u32 s10, $0x3;
	s9 =	sadd.s32 s9, s1  }
0x15: {  	s20 =	sshll.u32 s7, $0x9;
	s23 =	sadd.s32 $0xFFFFFFFF, s7;
	[dreg:$0x14] =	wrdreg s31  }
0x16: {  	[dreg:$0x15] =	wrdreg s0;
	s7 =	simm.s32 $0x3;
	s10 =	sadd.s32 s10, s1  }
0x17: {  	s1 =	sadd.s32 $0x14340, s1;
	s12 =	sshrl.u32 s20, $0x2;
	[dreg:$0xf] =	wrdreg s23  }
0x18: {  	s24 =	sadd.s32 $0x14600, s9;
	s26 =	sadd.s32 $0x28200, s9;
	[dreg:$0x9] =	wrdreg s1  }
0x19: {  	s23 =	sadd.s32 $0xFFFFFE00, s20;
	s15 =	sadd.s32 $0xC00, s10;
	[dreg:$0x10] =	wrdreg s24  }
0x1a: {  	s10 =	sadd.s32 $0xA840, s10;
	s1 =	sadd.s32 s16, s2;
	[dreg:$0x13] =	wrdreg s26  }
0x1b: {  	s22 =	sadd.s32 $0x13C00, s12;
	s26 =	sadd.s32 $0x13C80, s12;
	[dreg:$0x6] =	wrdreg s15  }
0x1c: {  	s28 =	sadd.s32 $0x16400, s12;
	[dreg:$0x7] =	wrdreg s10;
	s15 =	sadd.s32 s8, s3  }
0x1d: {  	s0 =	sshrl.u32 @!p1 s1, $0x3;
	s1 =	simm.s32 $0x1AC00;
	[dreg:$0xd] =	wrdreg s15  }
0x1e: {  	s8 =	simm.s32 $0x4;
	[dreg:$0x16] =	wrdreg s0;
	s0 =	sshrl.u32 @!p1 s5, $0x3  }
0x1f: {  	s5 =	simm.s32 $0x1;
	[dreg:$0x17] =	wrdreg s0;
	s0 =	simm.s32 $0x18C00  }
.LBB2_1:
0x20: {  	s9 =	simm.s32 @p0 $0x0;
	s10 =	simm.s32 @p0 $0x13C00;
	s11 =	rddreg [dreg:$0x8]  }
0x21: {  	[tilespmem:s10], [sflag:$0x5] =	stream.linear.gather @p0 [hbm4b:s11+s9], $0xA00, $0x38;
	[tilespmem:$0x1CC00] =	vst v63  }
0x22: {  	s10 =	simm.s32 @p0 $0x5  }
0x23: {  	_ =	swait.ge @p0 [sflag:s10], $0xA00  }
0x24: {  	[sflag:s10] =	ssyncset.done @p0 $0x0  }
0x25: {  	s11 =	simm.s32 @p0 $0x16400;
	s13 =	rddreg [dreg:$0x9];
	[sflag:s10] =	ssyncadd.s32 @p0 $0xFFFFF600  }
0x26: {  	[tilespmem:s11], [sflag:$0x5] =	stream.linear.gather @p0 [hbm4b:s13+s9], $0xA00, $0x38;
	[tilespmem:$0x1CC00] =	vst v63  }
0x27: {  	_ =	swait.ge @p0 [sflag:s10], $0xA00  }
0x28: {  	s9 =	simm.s32 @!p0 $0x0;
	[sflag:s10] =	ssyncset.done @p0 $0x0  }
0x29: {  	s11 =	rddreg [dreg:$0x6];
	[sflag:s10] =	ssyncadd.s32 @p0 $0xFFFFF600;
	s10 =	simm.s32 @!p0 $0x13C00  }
0x2a: {  	[tilespmem:s10], [sflag:$0x5] =	stream.linear.gather @!p0 [hbm4b:s11+s9], $0x2800, $0x38;
	[tilespmem:$0x1CC00] =	vst v63  }
0x2b: {  	s10 =	simm.s32 @!p0 $0x5  }
0x2c: {  	_ =	swait.ge @!p0 [sflag:s10], $0x2800  }
0x2d: {  	s14 =	simm.s32 @p1 $0x8;
	s15 =	simm.s32 @p1 $0x10;
	[sflag:s10] =	ssyncset.done @!p0 $0x0  }
0x2e: {  	s11 =	simm.s32 @!p0 $0x16400;
	s13 =	rddreg [dreg:$0x7];
	[sflag:s10] =	ssyncadd.s32 @!p0 $0xFFFFD800  }
0x2f: {  	[tilespmem:s11], [sflag:$0x5] =	stream.linear.gather @!p0 [hbm4b:s13+s9], $0x2800, $0x38;
	[tilespmem:$0x1CC00] =	vst v63  }
0x30: {  	s18 =	simm.s32 @p1 $0x5;
	s16 =	simm.s32 @!p1 $0x8;
	_ =	swait.ge @!p0 [sflag:s10], $0x2800  }
0x31: {  	s17 =	simm.s32 @!p1 $0x10;
	s21 =	simm.s32 @!p1 $0x5;
	[sflag:s10] =	ssyncset.done @!p0 $0x0  }
0x32: {  	s11 =	simm.s32 @p1 $0x1;
	s9 =	rddreg [dreg:$0xb];
	[sflag:s10] =	ssyncadd.s32 @!p0 $0xFFFFD800  }
0x33: {  	s13 =	sshrl.u32 @p1 s9, $0x3;
	s9 =	simm.s32 @p1 $0x1FC5;
	s10 =	rddreg [dreg:$0xc]  }
0x34: {  	[spmem:s13@s14], [sflag:s9] =	dma.strided @p1 [hbm:s10@s15], $0x1040, s11, $0x8   }
0x35: {  	s10 =	stileid.u32;
	s15 =	simm.s32 @!p1 $0x1;
	_ =	swait.ge @p1 [sflag:s18], $0x1040  }
0x36: {  	s9 =	sshll.u32 @!p1 s10, $0x6;
	[sflag:s18] =	ssyncset.done @p1 $0x0;
	s11 =	rddreg [dreg:$0xa]  }
0x37: {  	s9 =	sor.u32 @!p1 $0x1C05, s9;
	s14 =	rddreg [dreg:$0x16];
	[sflag:s18] =	ssyncadd.s32 @p1 $0xFFFFEFC0  }
0x38: {  	[spmem:s14@s16], [sflag:s9] =	dma.strided @!p1 [hbm:s11@s17], $0x13C0, s15, $0x8   }
0x39: {  	s16 =	sshll.u32 s10, $0x6;
	_ =	swait.ge @!p1 [sflag:s21], $0x13C0  }
0x3a: {  	s10 =	sor.u32 $0x1C05, s16;
	[sflag:s21] =	ssyncset.done @!p1 $0x0;
	s17 =	rddreg [dreg:$0xd]  }
0x3b: {  	s19 =	rddreg [dreg:$0xe];
	[sflag:s21] =	ssyncadd.s32 @!p1 $0xFFFFEC40;
	s11 =	sshrl.u32 s17, $0x3  }
0x3c: {  	[spmem:s11], [sflag:s10] =	dma.local [hbm:s19], $0x13C0  }
0x3d: {  	_ =	swait.ge [sflag:s29], $0x13C0  }
0x3e: {  	[sflag:s29] =	ssyncset.done $0x0  }
0x3f: {  	[sflag:s29] =	ssyncadd.s32 $0xFFFFEC40  }
0x40: {  	s20 =	simm.s32 $0x13C00;
	[bflag:$0x0] =	sbarrier.arrive $0xFFFF  }
0x41: {  	[tilespmem:s0], [sflag:$0x1] =	stream.indirect.gather [spmem:s2], $0x40, s20, s30, $0xb8;
	[tilespmem:$0x1CC00] =	vst v63  }
0x42: {  	_ = 	snop  }
0x43: {  	[tilespmem:s1], [sflag:$0x2] =	stream.indirect.gather [spmem:s2], $0x40, s22, s30, $0xb8;
	[tilespmem:$0x1CC00] =	vst v63  }
0x44: {  	_ =	swait.ge [sflag:s5], $0x2000  }
0x45: {  	[sflag:s5] =	ssyncset.done $0x0  }
0x46: {  	s24 =	smov.u32 s22;
	s22 =	simm.s32 $0x16400;
	[sflag:s5] =	ssyncadd.s32 $0xFFFFE000  }
0x47: {  	[spmem:s3] =	stream.indirect.scatter.add.f32 [tilespmem:s0], [sflag:$0x3], $0x40, s22, s30, $0xb8;
	[tilespmem:$0x1CC00] =	vst v63  }
0x48: {  	_ =	swait.ge [sflag:s6], $0x2000  }
0x49: {  	[sflag:s6] =	ssyncset.done $0x0  }
0x4a: {  	s25 =	sadd.s32 $0x0, s28;
	[sflag:s6] =	ssyncadd.s32 $0xFFFFE000  }
0x4b: {  	[spmem:s3] =	stream.indirect.scatter.add.f32 [tilespmem:s1], [sflag:$0x4], $0x40, s25, s30, $0xb8;
	[tilespmem:$0x1CC00] =	vst v63  }
0x4c: {  	_ =	swait.ge [sflag:s7], $0x2000  }
0x4d: {  	p2 =	sne.s32 s23, $0x200;
	[sflag:s7] =	ssyncset.done $0x0  }
.Ltmp0:
0x4e: {  	s31 =	simm.s32 $0x13C80;
	[sflag:s7] =	ssyncadd.s32 $0xFFFFE000;
	(pc) =	sbr.rel @!p2 .LBB2_3-.Ltmp0, $4  }
0x4f: {  	[tilespmem:s0], [sflag:$0x1] =	stream.indirect.gather [spmem:s2], $0x40, s31, s30, $0xb8;
	[tilespmem:$0x1CC00] =	vst v63  }
0x50: {  	s9 =	simm.s32 $0x200;
	_ =	swait.ge [sflag:s8], $0x2000  }
0x51: {  	s15 =	simm.s32 $0x2;
	s14 =	simm.s32 $0x0;
	[sflag:s8] =	ssyncset.done $0x0  }
0x52: {  	s16 =	sadd.s32 $0x0, s26;
	s22 =	simm.s32 $0x1;
	[sflag:s8] =	ssyncadd.s32 $0xFFFFE000  }
.LBB2_2:
0x53: {  	s22 =	smov.u32 s15  }
0x54: {  	[tilespmem:s1], [sflag:$0x2] =	stream.indirect.gather [spmem:s2], $0x40, s16, s30, $0xb8;
	[tilespmem:$0x1CC00] =	vst v63  }
0x55: {  	s16 =	smov.u32 s9;
	s9 =	sadd.s32 $0x200, s9;
	_ =	swait.ge [sflag:s5], $0x2000  }
0x56: {  	s16 =	sshra.s32 s16, $0x2;
	p2 =	sne.s32 s23, s9;
	[sflag:s5] =	ssyncset.done $0x0  }
0x57: {  	s17 =	sadd.s32 $0x16400, s16;
	[sflag:s5] =	ssyncadd.s32 $0xFFFFE000  }
0x58: {  	[spmem:s3] =	stream.indirect.scatter.add.f32 [tilespmem:s0], [sflag:$0x3], $0x40, s17, s30, $0xb8;
	[tilespmem:$0x1CC00] =	vst v63  }
0x59: {  	_ =	swait.ge [sflag:s6], $0x2000  }
0x5a: {  	[sflag:s6] =	ssyncset.done $0x0  }
0x5b: {  	s17 =	sadd.s32 s16, s28;
	[sflag:s6] =	ssyncadd.s32 $0xFFFFE000  }
0x5c: {  	[spmem:s3] =	stream.indirect.scatter.add.f32 [tilespmem:s1], [sflag:$0x4], $0x40, s17, s30, $0xb8;
	[tilespmem:$0x1CC00] =	vst v63  }
0x5d: {  	_ =	swait.ge [sflag:s7], $0x2000  }
0x5e: {  	[sflag:s7] =	ssyncset.done $0x0  }
.Ltmp1:
0x5f: {  	s17 =	sadd.s32 $0x13C80, s16;
	[sflag:s7] =	ssyncadd.s32 $0xFFFFE000;
	(pc) =	sbr.rel @p2 .LBB2_2-.Ltmp1, $4  }
0x60: {  	[tilespmem:s0], [sflag:$0x1] =	stream.indirect.gather [spmem:s2], $0x40, s17, s30, $0xb8;
	[tilespmem:$0x1CC00] =	vst v63  }
0x61: {  	_ =	swait.ge [sflag:s8], $0x2000  }
0x62: {  	s15 =	sadd.s32 $0x1, s15;
	[sflag:s8] =	ssyncset.done $0x0  }
0x63: {  	s14 =	sadd.s32 $0x1, s14;
	s16 =	sadd.s32 s16, s26;
	[sflag:s8] =	ssyncadd.s32 $0xFFFFE000  }
.LBB2_3:
0x64: {  	[tilespmem:s1], [sflag:$0x2] =	stream.indirect.gather [spmem:s2], $0x40, s16, s30, $0xb8;
	[tilespmem:$0x1CC00] =	vst v63  }
0x65: {  	_ =	swait.ge [sflag:s5], $0x2000  }
0x66: {  	s15 =	sshra.s32 s9, $0x2;
	[sflag:s5] =	ssyncset.done $0x0  }
0x67: {  	s25 =	sadd.s32 $0x16400, s15;
	[sflag:s5] =	ssyncadd.s32 $0xFFFFE000  }
0x68: {  	[spmem:s3] =	stream.indirect.scatter.add.f32 [tilespmem:s0], [sflag:$0x3], $0x40, s25, s30, $0xb8;
	[tilespmem:$0x1CC00] =	vst v63  }
0x69: {  	_ =	swait.ge [sflag:s6], $0x2000  }
0x6a: {  	[sflag:s6] =	ssyncset.done $0x0  }
0x6b: {  	s31 =	sadd.s32 s15, s28;
	[sflag:s6] =	ssyncadd.s32 $0xFFFFE000  }
0x6c: {  	[spmem:s3] =	stream.indirect.scatter.add.f32 [tilespmem:s1], [sflag:$0x4], $0x40, s31, s30, $0xb8;
	[tilespmem:$0x1CC00] =	vst v63  }
0x6d: {  	_ =	swait.ge [sflag:s7], $0x2000  }
0x6e: {  	s14 =	sadd.s32 $0x1, s14;
	s20 =	rddreg [dreg:$0xf]  }
0x6f: {  	[sflag:s7] =	ssyncset.done $0x0;
	p2 =	slt.u32 s14, s20  }
0x70: {  	[sflag:s7] =	ssyncadd.s32 $0xFFFFE000;
	s15 =	sshra.s32 @p2 s9, $0x2  }
0x71: {  	s14 =	simm.s32 @p2 $0x80;
	s9 =	simm.s32 @p2 $0x18C00;
	s16 =	sadd.s32 @p2 $0x13C80, s15  }
0x72: {  	[tilespmem:s9], [sflag:$0x1] =	stream.indirect.gather @p2 [spmem:s2], $0x40, s16, s14, $0xb8;
	[tilespmem:$0x1CC00] =	vst v63  }
0x73: {  	s16 =	simm.s32 @p2 $0x4  }
0x74: {  	_ =	swait.ge @p2 [sflag:s16], $0x2000  }
0x75: {  	[sflag:s16] =	ssyncset.done @p2 $0x0  }
0x76: {  	s17 =	sadd.s32 @p2 s15, s26;
	s9 =	simm.s32 @p2 $0x1AC00;
	[sflag:s16] =	ssyncadd.s32 @p2 $0xFFFFE000  }
0x77: {  	[tilespmem:s9], [sflag:$0x2] =	stream.indirect.gather @p2 [spmem:s2], $0x40, s17, s14, $0xb8;
	[tilespmem:$0x1CC00] =	vst v63  }
0x78: {  	s17 =	simm.s32 @!p2 $0x4  }
0x79: {  	_ =	swait.ge @!p2 [sflag:s17], $0x2000  }
0x7a: {  	[sflag:s17] =	ssyncset.done @!p2 $0x0  }
0x7b: {  	[sflag:s17] =	ssyncadd.s32 @!p2 $0xFFFFE000  }
0x7c: {  	[bflag:$0x0] =	sbarrier.arrive $0xFFFF  }
0x7d: {  	s20 =	rddreg [dreg:$0x10]  }
0x7e: {  	[hbm:s20], [sflag:s10] =	dma.local [spmem:s11], $0x13C0  }
0x7f: {  	_ =	swait.ge [sflag:s29], $0x13C0  }
0x80: {  	[sflag:s29] =	ssyncset.done $0x0  }
0x81: {  	[sflag:s29] =	ssyncadd.s32 $0xFFFFEC40  }
0x82: {  	s19 =	simm.s32 @p1 $0x1;
	[bflag:$0x0] =	sbarrier.arrive $0xFFFF  }
0x83: {  	s15 =	simm.s32 @p1 $0x10;
	s9 =	simm.s32 @p1 $0x8;
	s20 =	rddreg [dreg:$0x12]  }
0x84: {  	[spmem:s13@s9], [sflag:s10] =	dma.strided @p1 [hbm:s20@s15], $0x1040, s19, $0x8   }
0x85: {  	s9 =	simm.s32 @!p1 $0x1;
	_ =	swait.ge @p1 [sflag:s18], $0x1040  }
0x86: {  	s15 =	simm.s32 @!p1 $0x8;
	[sflag:s18] =	ssyncset.done @p1 $0x0;
	s13 =	rddreg [dreg:$0x11]  }
0x87: {  	s19 =	simm.s32 @!p1 $0x10;
	[sflag:s18] =	ssyncadd.s32 @p1 $0xFFFFEFC0;
	s18 =	rddreg [dreg:$0x17]  }
0x88: {  	[spmem:s18@s15], [sflag:s10] =	dma.strided @!p1 [hbm:s13@s19], $0x13C0, s9, $0x8   }
0x89: {  	_ =	swait.ge @!p1 [sflag:s21], $0x13C0  }
0x8a: {  	[sflag:s21] =	ssyncset.done @!p1 $0x0  }
0x8b: {  	s15 =	rddreg [dreg:$0xe];
	[sflag:s21] =	ssyncadd.s32 @!p1 $0xFFFFEC40  }
0x8c: {  	[spmem:s11], [sflag:s10] =	dma.local [hbm:s15], $0x13C0  }
0x8d: {  	_ =	swait.ge [sflag:s29], $0x13C0  }
0x8e: {  	[sflag:s29] =	ssyncset.done $0x0  }
0x8f: {  	[sflag:s29] =	ssyncadd.s32 $0xFFFFEC40  }
0x90: {  	s18 =	simm.s32 $0x13C00;
	[bflag:$0x0] =	sbarrier.arrive $0xFFFF  }
0x91: {  	[tilespmem:s0], [sflag:$0x1] =	stream.indirect.gather [spmem:s2], $0x40, s18, s30, $0xb8;
	[tilespmem:$0x1CC00] =	vst v63  }
0x92: {  	_ = 	snop  }
0x93: {  	[tilespmem:s1], [sflag:$0x2] =	stream.indirect.gather [spmem:s2], $0x40, s24, s30, $0xb8;
	[tilespmem:$0x1CC00] =	vst v63  }
0x94: {  	_ =	swait.ge [sflag:s5], $0x2000  }
0x95: {  	[sflag:s5] =	ssyncset.done $0x0  }
0x96: {  	s19 =	simm.s32 $0x16400;
	[sflag:s5] =	ssyncadd.s32 $0xFFFFE000  }
0x97: {  	[spmem:s3] =	stream.indirect.scatter.add.f32 [tilespmem:s0], [sflag:$0x3], $0x40, s19, s30, $0xb8;
	[tilespmem:$0x1CC00] =	vst v63  }
0x98: {  	_ =	swait.ge [sflag:s6], $0x2000  }
0x99: {  	[sflag:s6] =	ssyncset.done $0x0  }
0x9a: {  	s20 =	sadd.s32 $0x16400, s12;
	[sflag:s6] =	ssyncadd.s32 $0xFFFFE000  }
0x9b: {  	[spmem:s3] =	stream.indirect.scatter.add.f32 [tilespmem:s1], [sflag:$0x4], $0x40, s20, s30, $0xb8;
	[tilespmem:$0x1CC00] =	vst v63  }
0x9c: {  	_ =	swait.ge [sflag:s7], $0x2000  }
0x9d: {  	p3 =	sne.s32 s22, $0x1;
	[sflag:s7] =	ssyncset.done $0x0  }
.Ltmp2:
0x9e: {  	s21 =	simm.s32 $0x13C80;
	[sflag:s7] =	ssyncadd.s32 $0xFFFFE000;
	(pc) =	sbr.rel @!p3 .LBB2_5-.Ltmp2, $4  }
0x9f: {  	[tilespmem:s0], [sflag:$0x1] =	stream.indirect.gather [spmem:s2], $0x40, s21, s30, $0xb8;
	[tilespmem:$0x1CC00] =	vst v63  }
0xa0: {  	_ =	swait.ge [sflag:s8], $0x2000  }
0xa1: {  	s13 =	sadd.s32 $0xFFFFFFFF, s22;
	s18 =	simm.s32 $0x13D00;
	[sflag:s8] =	ssyncset.done $0x0  }
0xa2: {  	s19 =	simm.s32 $0x16480;
	s20 =	sadd.s32 $0x13C80, s12;
	[sflag:s8] =	ssyncadd.s32 $0xFFFFE000  }
.LBB2_4:
0xa3: {  	[tilespmem:s1], [sflag:$0x2] =	stream.indirect.gather [spmem:s2], $0x40, s20, s30, $0xb8;
	[tilespmem:$0x1CC00] =	vst v63  }
0xa4: {  	p3 =	sne.s32 s13, $0x1;
	s13 =	sadd.s32 $0xFFFFFFFF, s13;
	_ =	swait.ge [sflag:s5], $0x2000  }
0xa5: {  	s20 =	smov.u32 s18;
	[sflag:s5] =	ssyncset.done $0x0  }
0xa6: {  	[sflag:s5] =	ssyncadd.s32 $0xFFFFE000  }
0xa7: {  	[spmem:s3] =	stream.indirect.scatter.add.f32 [tilespmem:s0], [sflag:$0x3], $0x40, s19, s30, $0xb8;
	[tilespmem:$0x1CC00] =	vst v63  }
0xa8: {  	_ =	swait.ge [sflag:s6], $0x2000  }
0xa9: {  	[sflag:s6] =	ssyncset.done $0x0  }
0xaa: {  	s21 =	sadd.s32 s12, s19;
	[sflag:s6] =	ssyncadd.s32 $0xFFFFE000  }
0xab: {  	[spmem:s3] =	stream.indirect.scatter.add.f32 [tilespmem:s1], [sflag:$0x4], $0x40, s21, s30, $0xb8;
	[tilespmem:$0x1CC00] =	vst v63  }
0xac: {  	_ =	swait.ge [sflag:s7], $0x2000  }
0xad: {  	[sflag:s7] =	ssyncset.done $0x0  }
.Ltmp3:
0xae: {  	[sflag:s7] =	ssyncadd.s32 $0xFFFFE000;
	(pc) =	sbr.rel @p3 .LBB2_4-.Ltmp3, $4  }
0xaf: {  	[tilespmem:s0], [sflag:$0x1] =	stream.indirect.gather [spmem:s2], $0x40, s18, s30, $0xb8;
	[tilespmem:$0x1CC00] =	vst v63  }
0xb0: {  	_ =	swait.ge [sflag:s8], $0x2000  }
0xb1: {  	s18 =	sadd.s32 $0x80, s18;
	[sflag:s8] =	ssyncset.done $0x0  }
0xb2: {  	s20 =	sadd.s32 s12, s20;
	s19 =	sadd.s32 $0x80, s19;
	[sflag:s8] =	ssyncadd.s32 $0xFFFFE000  }
.LBB2_5:
0xb3: {  	[tilespmem:s1], [sflag:$0x2] =	stream.indirect.gather [spmem:s2], $0x40, s20, s30, $0xb8;
	[tilespmem:$0x1CC00] =	vst v63  }
0xb4: {  	_ =	swait.ge [sflag:s5], $0x2000  }
0xb5: {  	[sflag:s5] =	ssyncset.done $0x0  }
0xb6: {  	[sflag:s5] =	ssyncadd.s32 $0xFFFFE000  }
0xb7: {  	[spmem:s3] =	stream.indirect.scatter.add.f32 [tilespmem:s0], [sflag:$0x3], $0x40, s25, s30, $0xb8;
	[tilespmem:$0x1CC00] =	vst v63  }
0xb8: {  	_ =	swait.ge [sflag:s6], $0x2000  }
0xb9: {  	[sflag:s6] =	ssyncset.done $0x0  }
0xba: {  	[sflag:s6] =	ssyncadd.s32 $0xFFFFE000  }
0xbb: {  	[spmem:s3] =	stream.indirect.scatter.add.f32 [tilespmem:s1], [sflag:$0x4], $0x40, s31, s30, $0xb8;
	[tilespmem:$0x1CC00] =	vst v63  }
0xbc: {  	_ =	swait.ge [sflag:s7], $0x2000  }
0xbd: {  	[sflag:s7] =	ssyncset.done $0x0  }
0xbe: {  	s9 =	simm.s32 @p2 $0x18C00;
	[sflag:s7] =	ssyncadd.s32 $0xFFFFE000  }
0xbf: {  	[tilespmem:s9], [sflag:$0x1] =	stream.indirect.gather @p2 [spmem:s2], $0x40, s24, s14, $0xb8;
	[tilespmem:$0x1CC00] =	vst v63  }
0xc0: {  	_ =	swait.ge @p2 [sflag:s16], $0x2000  }
0xc1: {  	[sflag:s16] =	ssyncset.done @p2 $0x0  }
0xc2: {  	s13 =	simm.s32 @p2 $0x1AC00;
	s9 =	rddreg [dreg:$0x15];
	[sflag:s16] =	ssyncadd.s32 @p2 $0xFFFFE000  }
0xc3: {  	[tilespmem:s13], [sflag:$0x2] =	stream.indirect.gather @p2 [spmem:s2], $0x40, s9, s14, $0xb8;
	[tilespmem:$0x1CC00] =	vst v63  }
0xc4: {  	_ =	swait.ge @!p2 [sflag:s17], $0x2000  }
0xc5: {  	[sflag:s17] =	ssyncset.done @!p2 $0x0  }
0xc6: {  	[sflag:s17] =	ssyncadd.s32 @!p2 $0xFFFFE000  }
0xc7: {  	[bflag:$0x0] =	sbarrier.arrive $0xFFFF  }
0xc8: {  	s25 =	rddreg [dreg:$0x13]  }
0xc9: {  	[hbm:s25], [sflag:s10] =	dma.local [spmem:s11], $0x13C0  }
0xca: {  	_ =	swait.ge [sflag:s29], $0x13C0  }
0xcb: {  	s4 =	sadd.s32 $0x1, s4;
	s31 =	rddreg [dreg:$0x14]  }
0xcc: {  	p2 =	sne.s32 s4, s31  }
.Ltmp4:
0xcd: {  	_ = 	snop;
	(pc) =	sbr.rel @p2 .LBB2_1-.Ltmp4, $4  }
0xce: {  	[sflag:s29] =	ssyncset.done $0x0  }
0xcf: {  	[sflag:s29] =	ssyncadd.s32 $0xFFFFEC40  }
0xd0: {  	[bflag:$0x0] =	sbarrier.arrive $0xFFFF  }
0xd1: {  	s22 =	smov.u32 s24  }
0xd2: {  	_ =	sfence.sel $0x180000  }
0xd3: {  	[bflag:$0x0] =	sbarrier.arrive $0xFFFF  }
0xd4: {  	_ =	strace $0x90000047  }
0xd5: {  	s0 =	stileid.u32;
	[bflag:$0x2] =	sbarrier.arrive $0xFFFF  }
0xd6: {  	p0 =	sne.s32 s0, $0x0;
	s0 =	rddreg [dreg:$0x5]  }
0xd7: {  	s0 =	sadd.s32 @!p0 $0x100000, s0  }
0xd8: {  	[sflag:s0] =	ssyncadd.tile.s32 @!p0 $0x1;
	_ =	shalt  }
.Lfunc_end2:
_tile_overlayer_lowered:
.L_overlay_start_2:
0xd9: {  	(tag) =	ssettag $0x2  }
0xda: {  	s0 =	rddreg [dreg:$0x0];
	s2 =	stileid.u32  }
0xdb: {  	s1 =	rddreg [dreg:$0x1];
	p0 =	sne.s32 s2, $0x0  }
0xdc: {  	s3 =	rddreg [dreg:$0x2];
	[bflag:$0x3] =	sbarrier.arrive $0xFFFF;
	s2 =	simm.s32 @!p0 $0x1C05  }
0xdd: {  	[timem:s3], [sflag:s2] =	dma.local @!p0 [hbm:s0], s1  }
0xde: {  	s0 =	simm.s32 @!p0 $0x5  }
0xdf: {  	_ =	swait.ge @!p0 [sflag:s0], s1  }
0xe0: {  	s1 =	ssub.s32 @!p0 $0x0, s1;
	[sflag:s0] =	ssyncset.done @!p0 $0x0  }
0xe1: {  	[sflag:s0] =	ssyncadd.s32 @!p0 s1  }
0xe2: {  	[bflag:$0x3] =	sbarrier.arrive $0xFFFF  }
0xe3: {  	_ =	shalt  }

</sc_bundles>
